<compile_context>
chip_gen: v7x
topology: tpu7x:2x2x1
jax: 0.10.2.dev20260603
libtpu: 0.0.44.dev20260713+nightly
codegen_flags: <defaults>
</compile_context>

<pallas_src>
import jax
import jax.numpy as jnp
from jax import lax
from jax.experimental import pallas as pl
from jax.experimental.pallas import tpu as pltpu
from jax.experimental.pallas import tpu_sc as plsc

N = 10000
D = 128
E = 320000

DP = 144
NC = 2
NS = 16
CHUNK = 80
G = 7
NG = 18
GE = G * CHUNK
CPT = G * NG
EPT = CHUNK * CPT
E_PAD = EPT * NC * NS
RPT = 626
NPAD = RPT * NS

NBUF = 3


def _sc_body(xa, srcp, dstp, zrow, out, sidx, didx, dstc, rows, agg_sh,
             gsem, ssem, isem):
    c = lax.axis_index("c")
    s = lax.axis_index("s")
    r0 = s * RPT
    pltpu.sync_copy(zrow, agg_sh.at[pl.ds(r0, RPT)])
    base = (c * NS + s) * EPT
    pltpu.sync_copy(srcp.at[pl.ds(base, GE)], sidx.at[0])
    pltpu.sync_copy(dstp.at[pl.ds(base, GE)], didx.at[0])
    plsc.subcore_barrier()
    pltpu.async_copy(xa.at[sidx.at[0, pl.ds(0, CHUNK)]], rows.at[0],
                     gsem.at[0])
    pltpu.async_copy(srcp.at[pl.ds(base + GE, GE)], sidx.at[1], isem)
    pltpu.async_copy(dstp.at[pl.ds(base + GE, GE)], didx.at[1], isem)

    def group(g, carry):
        p = lax.rem(g, 2)
        q = lax.rem(g + 1, 2)
        for j in range(G):
            i = g * G + j
            buf = lax.rem(i, NBUF)
            nxt = lax.rem(i + 1, NBUF)

            if j + 1 < G:
                @pl.when(i >= NBUF - 1)
                def _():
                    pltpu.make_async_copy(rows.at[nxt],
                                          agg_sh.at[dstc.at[nxt]],
                                          ssem.at[nxt]).wait()

                pltpu.async_copy(
                    xa.at[sidx.at[p, pl.ds((j + 1) * CHUNK, CHUNK)]],
                    rows.at[nxt], gsem.at[nxt])
            else:
                @pl.when(g + 1 < NG)
                def _():
                    pltpu.make_async_copy(rows.at[nxt],
                                          agg_sh.at[dstc.at[nxt]],
                                          ssem.at[nxt]).wait()
                    pltpu.make_async_copy(srcp.at[pl.ds(base, GE)],
                                          sidx.at[q], isem).wait()
                    pltpu.make_async_copy(dstp.at[pl.ds(base, GE)],
                                          didx.at[q], isem).wait()
                    pltpu.async_copy(xa.at[sidx.at[q, pl.ds(0, CHUNK)]],
                                     rows.at[nxt], gsem.at[nxt])

            for k in range(CHUNK // 16):
                dstc[buf, pl.ds(k * 16, 16)] = (
                    didx[p, pl.ds(j * CHUNK + k * 16, 16)])

            pltpu.make_async_copy(
                xa.at[sidx.at[p, pl.ds(j * CHUNK, CHUNK)]],
                rows.at[buf], gsem.at[buf]).wait()
            pltpu.async_copy(rows.at[buf], agg_sh.at[dstc.at[buf]],
                             ssem.at[buf], add=True)

        @pl.when(g + 2 < NG)
        def _():
            off = base + (g + 2) * GE
            pltpu.async_copy(srcp.at[pl.ds(off, GE)], sidx.at[p], isem)
            pltpu.async_copy(dstp.at[pl.ds(off, GE)], didx.at[p], isem)

        return carry

    lax.fori_loop(0, NG, group, 0)
    for b in range(NBUF):
        pltpu.make_async_copy(rows.at[b], agg_sh.at[dstc.at[b]],
                              ssem.at[b]).wait()
    plsc.subcore_barrier()
    pltpu.sync_copy(agg_sh.at[pl.ds(r0, RPT)],
                    out.at[c, pl.ds(r0, RPT)])


_sc_call = pl.kernel(
    _sc_body,
    out_type=jax.ShapeDtypeStruct((NC, NPAD, DP), jnp.float32),
    mesh=plsc.VectorSubcoreMesh(core_axis_name="c", subcore_axis_name="s"),
    scratch_types=[
        pltpu.VMEM((2, GE), jnp.int32),
        pltpu.VMEM((2, GE), jnp.int32),
        pltpu.VMEM((NBUF, CHUNK), jnp.int32),
        pltpu.VMEM((NBUF, CHUNK, DP), jnp.float32),
        pltpu.VMEM_SHARED((NPAD, DP), jnp.float32),
        pltpu.SemaphoreType.DMA((NBUF,)),
        pltpu.SemaphoreType.DMA((NBUF,)),
        pltpu.SemaphoreType.DMA,
    ],
    compiler_params=pltpu.CompilerParams(use_tc_tiling_on_sc=False),
)


BXA = 2000


def _xa_body(x_ref, o_ref):
    o_ref[:, :D] = x_ref[...]
    o_ref[:, D:D + 1] = jnp.ones((BXA, 1), jnp.float32)
    o_ref[:, D + 1:] = jnp.zeros((BXA, DP - D - 1), jnp.float32)


BN = 2000


def _tc_body(p_ref, wa_ref, out_ref):
    p = p_ref[0] + p_ref[1]
    num = jnp.dot(p, wa_ref[...], preferred_element_type=jnp.float32)
    cnt = p[:, D:D + 1]
    out_ref[...] = jnp.maximum(num / jnp.maximum(cnt, 1.0), 0.0)


def kernel(x, edge_index, W, b):
    src = edge_index[0]
    dst = edge_index[1]
    pad = E_PAD - E
    srcp = jnp.concatenate([src, jnp.full((pad,), N, jnp.int32)])
    dstp = jnp.concatenate([dst, jnp.full((pad,), N, jnp.int32)])
    xa = pl.pallas_call(
        _xa_body,
        grid=(N // BXA,),
        in_specs=[pl.BlockSpec((BXA, D), lambda i: (i, 0))],
        out_specs=pl.BlockSpec((BXA, DP), lambda i: (i, 0)),
        out_shape=jax.ShapeDtypeStruct((NPAD, DP), jnp.float32),
    )(x)
    zrow = jnp.zeros((RPT, DP), jnp.float32)

    partials = _sc_call(xa, srcp, dstp, zrow)

    wa = jnp.zeros((DP, D), jnp.float32).at[:D].set(W.T).at[D].set(b)
    out = pl.pallas_call(
        _tc_body,
        grid=(N // BN,),
        in_specs=[
            pl.BlockSpec((NC, BN, DP), lambda i: (0, i, 0)),
            pl.BlockSpec((DP, D), lambda i: (0, 0)),
        ],
        out_specs=pl.BlockSpec((BN, D), lambda i: (i, 0)),
        out_shape=jax.ShapeDtypeStruct((N, D), jnp.float32),
    )(partials, wa)
    return out

# --- scband reference (transcript-rebuilt; emitter-appended) ---
"""Pipeline reference for scband-gcnlayer-26809185862199 (READ-ONLY COPY).

The authoritative reference and input builder live on the scoring server;
editing this copy changes nothing except your own understanding.
"""

import jax, jax.numpy as jnp
import numpy as np

N = 10000
E = 320000
D = 128

def setup_inputs(seed: int = 0) -> dict:
    key = jax.random.key(seed)
    k1, k2, k3, k4 = jax.random.split(key, 4)
    x = jax.random.normal(k1, (N, D), dtype=jnp.float32)
    edge_index = jax.random.randint(k2, (2, E), 0, N, dtype=jnp.int32)
    W = jax.random.normal(k3, (D, D), dtype=jnp.float32) * 0.05
    b = jax.random.normal(k4, (D,), dtype=jnp.float32) * 0.05
    return {"x": x, "edge_index": edge_index, "W": W, "b": b}

def reference(x, edge_index, W, b):
    n = x.shape[0]
    src = edge_index[0]
    dst = edge_index[1]
    # messages = linear(x[src]) : gather then dense
    messages = x[src] @ W.T + b
    # out.index_add_(0, dst, messages) -> scatter-add
    out = jnp.zeros_like(x).at[dst].add(messages)
    # degree normalization: bincount(dst, minlength=N).clamp(min=1)
    deg = jnp.clip(jnp.bincount(dst, length=n), 1).astype(jnp.float32)[:, None]
    out = out / deg
    return jax.nn.relu(out)

if __name__ == "__main__":
    import jax
    _d = setup_inputs()
    print(jax.jit(kernel)(*tuple(_d.values())))

</pallas_src>

<mosaic_0001>
#map = affine_map<(d0, d1) -> (0, 0)>
#map1 = affine_map<(d0, d1) -> (0)>
#map2 = affine_map<(d0, d1) -> (0, 0, 0)>
module attributes {stable_mosaic.version = 14 : i64} {
  func.func @_sc_body(%arg0: i32, %arg1: i32, %arg2: memref<10016x144xf32, #tpu.memory_space<hbm>>, %arg3: memref<322560xi32, #tpu.memory_space<hbm>>, %arg4: memref<322560xi32, #tpu.memory_space<hbm>>, %arg5: memref<626x144xf32, #tpu.memory_space<hbm>>, %arg6: memref<2x10016x144xf32, #tpu.memory_space<hbm>>, %arg7: memref<2x560xi32, #tpu.memory_space<vmem>>, %arg8: memref<2x560xi32, #tpu.memory_space<vmem>>, %arg9: memref<3x80xi32, #tpu.memory_space<vmem>>, %arg10: memref<3x80x144xf32, #tpu.memory_space<vmem>>, %arg11: memref<10016x144xf32, #tpu.memory_space<vmem_shared>>, %arg12: memref<3x!tpu.dma_semaphore, #tpu.memory_space<semaphore_mem>>, %arg13: memref<3x!tpu.dma_semaphore, #tpu.memory_space<semaphore_mem>>, %arg14: memref<!tpu.dma_semaphore, #tpu.memory_space<semaphore_mem>>) attributes {dimension_semantics = [#tpu.dimension_semantics<core_parallel>, #tpu.dimension_semantics<subcore_parallel>], iteration_bounds = array<i64: 2, 16>, scalar_prefetch = 0 : i64, scratch_operands = 8 : i64, tpu.core_type = #tpu.core_type<sc_vector_subcore>, window_params = [{transform_indices = #map}, {transform_indices = #map1}, {transform_indices = #map1}, {transform_indices = #map}, {transform_indices = #map2}]} {
    %mul3A = arith.constant 626 : i32
    %mul3A_0 = arith.muli %arg1, %mul3A : i32
    "tpu.region"() ({
      %run_scoped3A_92 = tpu.sem_alloc : memref<!tpu.dma_semaphore, #tpu.memory_space<semaphore_mem>>
      %dma_start3A_93 = arith.constant 0 : i32
      %dma_start3A_94 = tpu.memref_slice %arg11[%mul3A_0, %dma_start3A_93] : memref<10016x144xf32, #tpu.memory_space<vmem_shared>> -> memref<626x144xf32, #tpu.memory_space<vmem_shared>>
      tpu.enqueue_dma source(%arg5 : memref<626x144xf32, #tpu.memory_space<hbm>>) target(%dma_start3A_94 : memref<626x144xf32, #tpu.memory_space<vmem_shared>>) target_semaphore(%run_scoped3A_92 : memref<!tpu.dma_semaphore, #tpu.memory_space<semaphore_mem>>)
      %dma_wait3A_95 = arith.constant 0 : i32
      %dma_wait3A_96 = tpu.memref_slice %arg11[%mul3A_0, %dma_wait3A_95] : memref<10016x144xf32, #tpu.memory_space<vmem_shared>> -> memref<626x144xf32, #tpu.memory_space<vmem_shared>>
      tpu.wait_dma2 semaphore(%run_scoped3A_92 : memref<!tpu.dma_semaphore, #tpu.memory_space<semaphore_mem>>) src(%arg5 : memref<626x144xf32, #tpu.memory_space<hbm>>) dst(%dma_wait3A_96 : memref<626x144xf32, #tpu.memory_space<vmem_shared>>)
      tpu.yield
    }) : () -> ()
    %mul3A_1 = arith.constant 16 : i32
    %mul3A_2 = arith.muli %arg0, %mul3A_1 : i32
    %add3A = arith.addi %mul3A_2, %arg1 : i32
    %mul3A_3 = arith.constant 10080 : i32
    %mul3A_4 = arith.muli %add3A, %mul3A_3 : i32
    %run_scoped3A = arith.constant 0 : i32
    "tpu.region"() ({
      %run_scoped3A_92 = tpu.sem_alloc : memref<!tpu.dma_semaphore, #tpu.memory_space<semaphore_mem>>
      %dma_start3A_93 = arith.constant 0 : i32
      %dma_start3A_94 = tpu.memref_slice %arg7[%run_scoped3A, %dma_start3A_93] : memref<2x560xi32, #tpu.memory_space<vmem>> -> memref<1x560xi32, #tpu.memory_space<vmem>>
      %dma_start3A_95 = tpu.memref_squeeze %dma_start3A_94 : memref<1x560xi32, #tpu.memory_space<vmem>> -> memref<560xi32, #tpu.memory_space<vmem>>
      %dma_start3A_96 = tpu.memref_slice %arg3[%mul3A_4] : memref<322560xi32, #tpu.memory_space<hbm>> -> memref<560xi32, #tpu.memory_space<hbm>>
      %dma_start3A_97 = arith.constant 0 : i32
      %dma_start3A_98 = tpu.memref_slice %arg7[%run_scoped3A, %dma_start3A_97] : memref<2x560xi32, #tpu.memory_space<vmem>> -> memref<1x560xi32, #tpu.memory_space<vmem>>
      %dma_start3A_99 = tpu.memref_squeeze %dma_start3A_98 : memref<1x560xi32, #tpu.memory_space<vmem>> -> memref<560xi32, #tpu.memory_space<vmem>>
      %dma_start3A_100 = tpu.memref_slice %arg3[%mul3A_4] : memref<322560xi32, #tpu.memory_space<hbm>> -> memref<560xi32, #tpu.memory_space<hbm>>
      tpu.enqueue_dma source(%dma_start3A_100 : memref<560xi32, #tpu.memory_space<hbm>>) target(%dma_start3A_99 : memref<560xi32, #tpu.memory_space<vmem>>) target_semaphore(%run_scoped3A_92 : memref<!tpu.dma_semaphore, #tpu.memory_space<semaphore_mem>>)
      %dma_wait3A_101 = arith.constant 0 : i32
      %dma_wait3A_102 = tpu.memref_slice %arg7[%run_scoped3A, %dma_wait3A_101] : memref<2x560xi32, #tpu.memory_space<vmem>> -> memref<1x560xi32, #tpu.memory_space<vmem>>
      %dma_wait3A_103 = tpu.memref_squeeze %dma_wait3A_102 : memref<1x560xi32, #tpu.memory_space<vmem>> -> memref<560xi32, #tpu.memory_space<vmem>>
      %dma_wait3A_104 = tpu.memref_slice %arg3[%mul3A_4] : memref<322560xi32, #tpu.memory_space<hbm>> -> memref<560xi32, #tpu.memory_space<hbm>>
      %dma_wait3A_105 = arith.constant 0 : i32
      %dma_wait3A_106 = tpu.memref_slice %arg7[%run_scoped3A, %dma_wait3A_105] : memref<2x560xi32, #tpu.memory_space<vmem>> -> memref<1x560xi32, #tpu.memory_space<vmem>>
      %dma_wait3A_107 = tpu.memref_squeeze %dma_wait3A_106 : memref<1x560xi32, #tpu.memory_space<vmem>> -> memref<560xi32, #tpu.memory_space<vmem>>
      %dma_wait3A_108 = tpu.memref_slice %arg3[%mul3A_4] : memref<322560xi32, #tpu.memory_space<hbm>> -> memref<560xi32, #tpu.memory_space<hbm>>
      tpu.wait_dma2 semaphore(%run_scoped3A_92 : memref<!tpu.dma_semaphore, #tpu.memory_space<semaphore_mem>>) src(%dma_wait3A_108 : memref<560xi32, #tpu.memory_space<hbm>>) dst(%dma_wait3A_107 : memref<560xi32, #tpu.memory_space<vmem>>)
      tpu.yield
    }) : () -> ()
    %run_scoped3A_5 = arith.constant 0 : i32
    "tpu.region"() ({
      %run_scoped3A_92 = tpu.sem_alloc : memref<!tpu.dma_semaphore, #tpu.memory_space<semaphore_mem>>
      %dma_start3A_93 = arith.constant 0 : i32
      %dma_start3A_94 = tpu.memref_slice %arg8[%run_scoped3A_5, %dma_start3A_93] : memref<2x560xi32, #tpu.memory_space<vmem>> -> memref<1x560xi32, #tpu.memory_space<vmem>>
      %dma_start3A_95 = tpu.memref_squeeze %dma_start3A_94 : memref<1x560xi32, #tpu.memory_space<vmem>> -> memref<560xi32, #tpu.memory_space<vmem>>
      %dma_start3A_96 = tpu.memref_slice %arg4[%mul3A_4] : memref<322560xi32, #tpu.memory_space<hbm>> -> memref<560xi32, #tpu.memory_space<hbm>>
      %dma_start3A_97 = arith.constant 0 : i32
      %dma_start3A_98 = tpu.memref_slice %arg8[%run_scoped3A_5, %dma_start3A_97] : memref<2x560xi32, #tpu.memory_space<vmem>> -> memref<1x560xi32, #tpu.memory_space<vmem>>
      %dma_start3A_99 = tpu.memref_squeeze %dma_start3A_98 : memref<1x560xi32, #tpu.memory_space<vmem>> -> memref<560xi32, #tpu.memory_space<vmem>>
      %dma_start3A_100 = tpu.memref_slice %arg4[%mul3A_4] : memref<322560xi32, #tpu.memory_space<hbm>> -> memref<560xi32, #tpu.memory_space<hbm>>
      tpu.enqueue_dma source(%dma_start3A_100 : memref<560xi32, #tpu.memory_space<hbm>>) target(%dma_start3A_99 : memref<560xi32, #tpu.memory_space<vmem>>) target_semaphore(%run_scoped3A_92 : memref<!tpu.dma_semaphore, #tpu.memory_space<semaphore_mem>>)
      %dma_wait3A_101 = arith.constant 0 : i32
      %dma_wait3A_102 = tpu.memref_slice %arg8[%run_scoped3A_5, %dma_wait3A_101] : memref<2x560xi32, #tpu.memory_space<vmem>> -> memref<1x560xi32, #tpu.memory_space<vmem>>
      %dma_wait3A_103 = tpu.memref_squeeze %dma_wait3A_102 : memref<1x560xi32, #tpu.memory_space<vmem>> -> memref<560xi32, #tpu.memory_space<vmem>>
      %dma_wait3A_104 = tpu.memref_slice %arg4[%mul3A_4] : memref<322560xi32, #tpu.memory_space<hbm>> -> memref<560xi32, #tpu.memory_space<hbm>>
      %dma_wait3A_105 = arith.constant 0 : i32
      %dma_wait3A_106 = tpu.memref_slice %arg8[%run_scoped3A_5, %dma_wait3A_105] : memref<2x560xi32, #tpu.memory_space<vmem>> -> memref<1x560xi32, #tpu.memory_space<vmem>>
      %dma_wait3A_107 = tpu.memref_squeeze %dma_wait3A_106 : memref<1x560xi32, #tpu.memory_space<vmem>> -> memref<560xi32, #tpu.memory_space<vmem>>
      %dma_wait3A_108 = tpu.memref_slice %arg4[%mul3A_4] : memref<322560xi32, #tpu.memory_space<hbm>> -> memref<560xi32, #tpu.memory_space<hbm>>
      tpu.wait_dma2 semaphore(%run_scoped3A_92 : memref<!tpu.dma_semaphore, #tpu.memory_space<semaphore_mem>>) src(%dma_wait3A_108 : memref<560xi32, #tpu.memory_space<hbm>>) dst(%dma_wait3A_107 : memref<560xi32, #tpu.memory_space<vmem>>)
      tpu.yield
    }) : () -> ()
    %barrier3A = arith.constant 0 : index
    tpu.barrier barrier_id(%barrier3A)
    %dma_start3A = arith.constant 0 : i32
    %dma_start3A_6 = arith.constant 0 : i32
    %dma_start3A_7 = arith.constant 0 : i32
    %dma_start3A_8 = arith.constant 0 : i32
    %dma_start3A_9 = arith.constant 0 : i32
    %dma_start3A_10 = tpu.memref_slice %arg10[%dma_start3A_6, %dma_start3A_8, %dma_start3A_9] : memref<3x80x144xf32, #tpu.memory_space<vmem>> -> memref<1x80x144xf32, #tpu.memory_space<vmem>>
    %dma_start3A_11 = tpu.memref_squeeze %dma_start3A_10 : memref<1x80x144xf32, #tpu.memory_space<vmem>> -> memref<80x144xf32, #tpu.memory_space<vmem>>
    %dma_start3A_12 = arith.constant 0 : i32
    %dma_start3A_13 = tpu.memref_slice %arg7[%dma_start3A, %dma_start3A_12] : memref<2x560xi32, #tpu.memory_space<vmem>> -> memref<1x80xi32, #tpu.memory_space<vmem>>
    %dma_start3A_14 = tpu.memref_squeeze %dma_start3A_13 : memref<1x80xi32, #tpu.memory_space<vmem>> -> memref<80xi32, #tpu.memory_space<vmem>>
    %dma_start3A_15 = arith.constant 0 : i32
    %dma_start3A_16 = arith.constant 0 : i32
    %dma_start3A_17 = tpu.memref_slice %arg2[%dma_start3A_15, %dma_start3A_16] : memref<10016x144xf32, #tpu.memory_space<hbm>> -> memref<10016x144xf32, #tpu.memory_space<hbm>>
    %dma_start3A_18 = tpu.memref_slice %arg12[%dma_start3A_7] : memref<3x!tpu.dma_semaphore, #tpu.memory_space<semaphore_mem>> -> memref<1x!tpu.dma_semaphore, #tpu.memory_space<semaphore_mem>>
    %dma_start3A_19 = tpu.memref_squeeze %dma_start3A_18 : memref<1x!tpu.dma_semaphore, #tpu.memory_space<semaphore_mem>> -> memref<!tpu.dma_semaphore, #tpu.memory_space<semaphore_mem>>
    tpu.enqueue_indirect_dma source(%dma_start3A_17 : memref<10016x144xf32, #tpu.memory_space<hbm>>) target(%dma_start3A_11 : memref<80x144xf32, #tpu.memory_space<vmem>>) offsets(%dma_start3A_14 : memref<80xi32, #tpu.memory_space<vmem>>) semaphore(%dma_start3A_19 : memref<!tpu.dma_semaphore, #tpu.memory_space<semaphore_mem>>)
    %add3A_20 = arith.constant 560 : i32
    %add3A_21 = arith.addi %mul3A_4, %add3A_20 : i32
    %dma_start3A_22 = arith.constant 1 : i32
    %dma_start3A_23 = arith.constant 0 : i32
    %dma_start3A_24 = tpu.memref_slice %arg7[%dma_start3A_22, %dma_start3A_23] : memref<2x560xi32, #tpu.memory_space<vmem>> -> memref<1x560xi32, #tpu.memory_space<vmem>>
    %dma_start3A_25 = tpu.memref_squeeze %dma_start3A_24 : memref<1x560xi32, #tpu.memory_space<vmem>> -> memref<560xi32, #tpu.memory_space<vmem>>
    %dma_start3A_26 = tpu.memref_slice %arg3[%add3A_21] : memref<322560xi32, #tpu.memory_space<hbm>> -> memref<560xi32, #tpu.memory_space<hbm>>
    %dma_start3A_27 = arith.constant 0 : i32
    %dma_start3A_28 = tpu.memref_slice %arg7[%dma_start3A_22, %dma_start3A_27] : memref<2x560xi32, #tpu.memory_space<vmem>> -> memref<1x560xi32, #tpu.memory_space<vmem>>
    %dma_start3A_29 = tpu.memref_squeeze %dma_start3A_28 : memref<1x560xi32, #tpu.memory_space<vmem>> -> memref<560xi32, #tpu.memory_space<vmem>>
    %dma_start3A_30 = tpu.memref_slice %arg3[%add3A_21] : memref<322560xi32, #tpu.memory_space<hbm>> -> memref<560xi32, #tpu.memory_space<hbm>>
    tpu.enqueue_dma source(%dma_start3A_30 : memref<560xi32, #tpu.memory_space<hbm>>) target(%dma_start3A_29 : memref<560xi32, #tpu.memory_space<vmem>>) target_semaphore(%arg14 : memref<!tpu.dma_semaphore, #tpu.memory_space<semaphore_mem>>)
    %add3A_31 = arith.constant 560 : i32
    %add3A_32 = arith.addi %mul3A_4, %add3A_31 : i32
    %dma_start3A_33 = arith.constant 1 : i32
    %dma_start3A_34 = arith.constant 0 : i32
    %dma_start3A_35 = tpu.memref_slice %arg8[%dma_start3A_33, %dma_start3A_34] : memref<2x560xi32, #tpu.memory_space<vmem>> -> memref<1x560xi32, #tpu.memory_space<vmem>>
    %dma_start3A_36 = tpu.memref_squeeze %dma_start3A_35 : memref<1x560xi32, #tpu.memory_space<vmem>> -> memref<560xi32, #tpu.memory_space<vmem>>
    %dma_start3A_37 = tpu.memref_slice %arg4[%add3A_32] : memref<322560xi32, #tpu.memory_space<hbm>> -> memref<560xi32, #tpu.memory_space<hbm>>
    %dma_start3A_38 = arith.constant 0 : i32
    %dma_start3A_39 = tpu.memref_slice %arg8[%dma_start3A_33, %dma_start3A_38] : memref<2x560xi32, #tpu.memory_space<vmem>> -> memref<1x560xi32, #tpu.memory_space<vmem>>
    %dma_start3A_40 = tpu.memref_squeeze %dma_start3A_39 : memref<1x560xi32, #tpu.memory_space<vmem>> -> memref<560xi32, #tpu.memory_space<vmem>>
    %dma_start3A_41 = tpu.memref_slice %arg4[%add3A_32] : memref<322560xi32, #tpu.memory_space<hbm>> -> memref<560xi32, #tpu.memory_space<hbm>>
    tpu.enqueue_dma source(%dma_start3A_41 : memref<560xi32, #tpu.memory_space<hbm>>) target(%dma_start3A_40 : memref<560xi32, #tpu.memory_space<vmem>>) target_semaphore(%arg14 : memref<!tpu.dma_semaphore, #tpu.memory_space<semaphore_mem>>)
    %scan3A = arith.constant 0 : i32
    %scan3A_42 = arith.constant 0 : i32
    %scan3A_43 = arith.constant 18 : i32
    %scan3A_44 = arith.addi %scan3A_42, %scan3A_43 : i32
    %scan3A_45 = arith.constant 1 : i32
    scf.for %scan3A_92 = %scan3A_42 to %scan3A_44 step %scan3A_45  : i32 {
      %rem3A = arith.constant 2 : i32
      %rem3A_93 = arith.remsi %scan3A_92, %rem3A : i32
      %add3A_94 = arith.constant 1 : i32
      %add3A_95 = arith.addi %scan3A_92, %add3A_94 : i32
      %rem3A_96 = arith.constant 2 : i32
      %rem3A_97 = arith.remsi %add3A_95, %rem3A_96 : i32
      %mul3A_98 = arith.constant 7 : i32
      %mul3A_99 = arith.muli %scan3A_92, %mul3A_98 : i32
      %add3A_100 = arith.constant 0 : i32
      %add3A_101 = arith.addi %mul3A_99, %add3A_100 : i32
      %rem3A_102 = arith.constant 3 : i32
      %rem3A_103 = arith.remsi %add3A_101, %rem3A_102 : i32
      %add3A_104 = arith.constant 1 : i32
      %add3A_105 = arith.addi %add3A_101, %add3A_104 : i32
      %rem3A_106 = arith.constant 3 : i32
      %rem3A_107 = arith.remsi %add3A_105, %rem3A_106 : i32
      %ge3A = arith.constant 2 : i32
      %ge3A_108 = arith.cmpi sge, %add3A_101, %ge3A : i32
      %convert_element_type3A = arith.extui %ge3A_108 : i1 to i32
      %cond3A = arith.constant 0 : i32
      %cond3A_109 = arith.cmpi ne, %convert_element_type3A, %cond3A : i32
      scf.if %cond3A_109 {
        %dma_wait3A_761 = arith.constant 0 : i32
        %dma_wait3A_762 = arith.constant 0 : i32
        %dma_wait3A_763 = tpu.memref_slice %arg10[%rem3A_107, %dma_wait3A_761, %dma_wait3A_762] : memref<3x80x144xf32, #tpu.memory_space<vmem>> -> memref<1x80x144xf32, #tpu.memory_space<vmem>>
        %dma_wait3A_764 = tpu.memref_squeeze %dma_wait3A_763 : memref<1x80x144xf32, #tpu.memory_space<vmem>> -> memref<80x144xf32, #tpu.memory_space<vmem>>
        %dma_wait3A_765 = arith.constant 0 : i32
        %dma_wait3A_766 = tpu.memref_slice %arg9[%rem3A_107, %dma_wait3A_765] : memref<3x80xi32, #tpu.memory_space<vmem>> -> memref<1x80xi32, #tpu.memory_space<vmem>>
        %dma_wait3A_767 = tpu.memref_squeeze %dma_wait3A_766 : memref<1x80xi32, #tpu.memory_space<vmem>> -> memref<80xi32, #tpu.memory_space<vmem>>
        %dma_wait3A_768 = arith.constant 0 : i32
        %dma_wait3A_769 = arith.constant 0 : i32
        %dma_wait3A_770 = tpu.memref_slice %arg11[%dma_wait3A_768, %dma_wait3A_769] : memref<10016x144xf32, #tpu.memory_space<vmem_shared>> -> memref<10016x144xf32, #tpu.memory_space<vmem_shared>>
        %dma_wait3A_771 = tpu.memref_slice %arg13[%rem3A_107] : memref<3x!tpu.dma_semaphore, #tpu.memory_space<semaphore_mem>> -> memref<1x!tpu.dma_semaphore, #tpu.memory_space<semaphore_mem>>
        %dma_wait3A_772 = tpu.memref_squeeze %dma_wait3A_771 : memref<1x!tpu.dma_semaphore, #tpu.memory_space<semaphore_mem>> -> memref<!tpu.dma_semaphore, #tpu.memory_space<semaphore_mem>>
        tpu.wait_indirect_dma semaphore(%dma_wait3A_772 : memref<!tpu.dma_semaphore, #tpu.memory_space<semaphore_mem>>) src(%dma_wait3A_764 : memref<80x144xf32, #tpu.memory_space<vmem>>) dst(%dma_wait3A_770 : memref<10016x144xf32, #tpu.memory_space<vmem_shared>>)
      } else {
      }
      %dma_start3A_110 = arith.constant 0 : i32
      %dma_start3A_111 = arith.constant 0 : i32
      %dma_start3A_112 = tpu.memref_slice %arg10[%rem3A_107, %dma_start3A_110, %dma_start3A_111] : memref<3x80x144xf32, #tpu.memory_space<vmem>> -> memref<1x80x144xf32, #tpu.memory_space<vmem>>
      %dma_start3A_113 = tpu.memref_squeeze %dma_start3A_112 : memref<1x80x144xf32, #tpu.memory_space<vmem>> -> memref<80x144xf32, #tpu.memory_space<vmem>>
      %dma_start3A_114 = arith.constant 80 : i32
      %dma_start3A_115 = tpu.memref_slice %arg7[%rem3A_93, %dma_start3A_114] : memref<2x560xi32, #tpu.memory_space<vmem>> -> memref<1x80xi32, #tpu.memory_space<vmem>>
      %dma_start3A_116 = tpu.memref_squeeze %dma_start3A_115 : memref<1x80xi32, #tpu.memory_space<vmem>> -> memref<80xi32, #tpu.memory_space<vmem>>
      %dma_start3A_117 = arith.constant 0 : i32
      %dma_start3A_118 = arith.constant 0 : i32
      %dma_start3A_119 = tpu.memref_slice %arg2[%dma_start3A_117, %dma_start3A_118] : memref<10016x144xf32, #tpu.memory_space<hbm>> -> memref<10016x144xf32, #tpu.memory_space<hbm>>
      %dma_start3A_120 = tpu.memref_slice %arg12[%rem3A_107] : memref<3x!tpu.dma_semaphore, #tpu.memory_space<semaphore_mem>> -> memref<1x!tpu.dma_semaphore, #tpu.memory_space<semaphore_mem>>
      %dma_start3A_121 = tpu.memref_squeeze %dma_start3A_120 : memref<1x!tpu.dma_semaphore, #tpu.memory_space<semaphore_mem>> -> memref<!tpu.dma_semaphore, #tpu.memory_space<semaphore_mem>>
      tpu.enqueue_indirect_dma source(%dma_start3A_119 : memref<10016x144xf32, #tpu.memory_space<hbm>>) target(%dma_start3A_113 : memref<80x144xf32, #tpu.memory_space<vmem>>) offsets(%dma_start3A_116 : memref<80xi32, #tpu.memory_space<vmem>>) semaphore(%dma_start3A_121 : memref<!tpu.dma_semaphore, #tpu.memory_space<semaphore_mem>>)
      %get3A = arith.index_cast %rem3A_93 : i32 to index
      %get3A_122 = arith.constant 0 : index
      %get3A_123 = tpu.vector_load %arg8[%get3A, %get3A_122] {strides = array<i32>} : memref<2x560xi32, #tpu.memory_space<vmem>>, vector<1x16xi32>,
      %get3A_124 = vector.shape_cast %get3A_123 : vector<1x16xi32> to vector<16xi32>
      %swap3A = arith.index_cast %rem3A_103 : i32 to index
      %swap3A_125 = arith.constant 0 : index
      %swap3A_126 = tpu.vector_load %arg9[%swap3A, %swap3A_125] {strides = array<i32>} : memref<3x80xi32, #tpu.memory_space<vmem>>, vector<1x16xi32>,
      %swap3A_127 = vector.shape_cast %swap3A_126 : vector<1x16xi32> to vector<16xi32>
      %swap3A_128 = vector.shape_cast %get3A_124 : vector<16xi32> to vector<1x16xi32>
      tpu.vector_store %arg9[%swap3A, %swap3A_125], %swap3A_128 {strides = array<i32>} : memref<3x80xi32, #tpu.memory_space<vmem>>, vector<1x16xi32>,
      %get3A_129 = arith.index_cast %rem3A_93 : i32 to index
      %get3A_130 = arith.constant 16 : index
      %get3A_131 = tpu.vector_load %arg8[%get3A_129, %get3A_130] {strides = array<i32>} : memref<2x560xi32, #tpu.memory_space<vmem>>, vector<1x16xi32>,
      %get3A_132 = vector.shape_cast %get3A_131 : vector<1x16xi32> to vector<16xi32>
      %swap3A_133 = arith.index_cast %rem3A_103 : i32 to index
      %swap3A_134 = arith.constant 16 : index
      %swap3A_135 = tpu.vector_load %arg9[%swap3A_133, %swap3A_134] {strides = array<i32>} : memref<3x80xi32, #tpu.memory_space<vmem>>, vector<1x16xi32>,
      %swap3A_136 = vector.shape_cast %swap3A_135 : vector<1x16xi32> to vector<16xi32>
      %swap3A_137 = vector.shape_cast %get3A_132 : vector<16xi32> to vector<1x16xi32>
      tpu.vector_store %arg9[%swap3A_133, %swap3A_134], %swap3A_137 {strides = array<i32>} : memref<3x80xi32, #tpu.memory_space<vmem>>, vector<1x16xi32>,
      %get3A_138 = arith.index_cast %rem3A_93 : i32 to index
      %get3A_139 = arith.constant 32 : index
      %get3A_140 = tpu.vector_load %arg8[%get3A_138, %get3A_139] {strides = array<i32>} : memref<2x560xi32, #tpu.memory_space<vmem>>, vector<1x16xi32>,
      %get3A_141 = vector.shape_cast %get3A_140 : vector<1x16xi32> to vector<16xi32>
      %swap3A_142 = arith.index_cast %rem3A_103 : i32 to index
      %swap3A_143 = arith.constant 32 : index
      %swap3A_144 = tpu.vector_load %arg9[%swap3A_142, %swap3A_143] {strides = array<i32>} : memref<3x80xi32, #tpu.memory_space<vmem>>, vector<1x16xi32>,
      %swap3A_145 = vector.shape_cast %swap3A_144 : vector<1x16xi32> to vector<16xi32>
      %swap3A_146 = vector.shape_cast %get3A_141 : vector<16xi32> to vector<1x16xi32>
      tpu.vector_store %arg9[%swap3A_142, %swap3A_143], %swap3A_146 {strides = array<i32>} : memref<3x80xi32, #tpu.memory_space<vmem>>, vector<1x16xi32>,
      %get3A_147 = arith.index_cast %rem3A_93 : i32 to index
      %get3A_148 = arith.constant 48 : index
      %get3A_149 = tpu.vector_load %arg8[%get3A_147, %get3A_148] {strides = array<i32>} : memref<2x560xi32, #tpu.memory_space<vmem>>, vector<1x16xi32>,
      %get3A_150 = vector.shape_cast %get3A_149 : vector<1x16xi32> to vector<16xi32>
      %swap3A_151 = arith.index_cast %rem3A_103 : i32 to index
      %swap3A_152 = arith.constant 48 : index
      %swap3A_153 = tpu.vector_load %arg9[%swap3A_151, %swap3A_152] {strides = array<i32>} : memref<3x80xi32, #tpu.memory_space<vmem>>, vector<1x16xi32>,
      %swap3A_154 = vector.shape_cast %swap3A_153 : vector<1x16xi32> to vector<16xi32>
      %swap3A_155 = vector.shape_cast %get3A_150 : vector<16xi32> to vector<1x16xi32>
      tpu.vector_store %arg9[%swap3A_151, %swap3A_152], %swap3A_155 {strides = array<i32>} : memref<3x80xi32, #tpu.memory_space<vmem>>, vector<1x16xi32>,
      %get3A_156 = arith.index_cast %rem3A_93 : i32 to index
      %get3A_157 = arith.constant 64 : index
      %get3A_158 = tpu.vector_load %arg8[%get3A_156, %get3A_157] {strides = array<i32>} : memref<2x560xi32, #tpu.memory_space<vmem>>, vector<1x16xi32>,
      %get3A_159 = vector.shape_cast %get3A_158 : vector<1x16xi32> to vector<16xi32>
      %swap3A_160 = arith.index_cast %rem3A_103 : i32 to index
      %swap3A_161 = arith.constant 64 : index
      %swap3A_162 = tpu.vector_load %arg9[%swap3A_160, %swap3A_161] {strides = array<i32>} : memref<3x80xi32, #tpu.memory_space<vmem>>, vector<1x16xi32>,
      %swap3A_163 = vector.shape_cast %swap3A_162 : vector<1x16xi32> to vector<16xi32>
      %swap3A_164 = vector.shape_cast %get3A_159 : vector<16xi32> to vector<1x16xi32>
      tpu.vector_store %arg9[%swap3A_160, %swap3A_161], %swap3A_164 {strides = array<i32>} : memref<3x80xi32, #tpu.memory_space<vmem>>, vector<1x16xi32>,
      %dma_wait3A_165 = arith.constant 0 : i32
      %dma_wait3A_166 = arith.constant 0 : i32
      %dma_wait3A_167 = tpu.memref_slice %arg10[%rem3A_103, %dma_wait3A_165, %dma_wait3A_166] : memref<3x80x144xf32, #tpu.memory_space<vmem>> -> memref<1x80x144xf32, #tpu.memory_space<vmem>>
      %dma_wait3A_168 = tpu.memref_squeeze %dma_wait3A_167 : memref<1x80x144xf32, #tpu.memory_space<vmem>> -> memref<80x144xf32, #tpu.memory_space<vmem>>
      %dma_wait3A_169 = arith.constant 0 : i32
      %dma_wait3A_170 = tpu.memref_slice %arg7[%rem3A_93, %dma_wait3A_169] : memref<2x560xi32, #tpu.memory_space<vmem>> -> memref<1x80xi32, #tpu.memory_space<vmem>>
      %dma_wait3A_171 = tpu.memref_squeeze %dma_wait3A_170 : memref<1x80xi32, #tpu.memory_space<vmem>> -> memref<80xi32, #tpu.memory_space<vmem>>
      %dma_wait3A_172 = arith.constant 0 : i32
      %dma_wait3A_173 = arith.constant 0 : i32
      %dma_wait3A_174 = tpu.memref_slice %arg2[%dma_wait3A_172, %dma_wait3A_173] : memref<10016x144xf32, #tpu.memory_space<hbm>> -> memref<10016x144xf32, #tpu.memory_space<hbm>>
      %dma_wait3A_175 = tpu.memref_slice %arg12[%rem3A_103] : memref<3x!tpu.dma_semaphore, #tpu.memory_space<semaphore_mem>> -> memref<1x!tpu.dma_semaphore, #tpu.memory_space<semaphore_mem>>
      %dma_wait3A_176 = tpu.memref_squeeze %dma_wait3A_175 : memref<1x!tpu.dma_semaphore, #tpu.memory_space<semaphore_mem>> -> memref<!tpu.dma_semaphore, #tpu.memory_space<semaphore_mem>>
      tpu.wait_indirect_dma semaphore(%dma_wait3A_176 : memref<!tpu.dma_semaphore, #tpu.memory_space<semaphore_mem>>) src(%dma_wait3A_174 : memref<10016x144xf32, #tpu.memory_space<hbm>>) dst(%dma_wait3A_168 : memref<80x144xf32, #tpu.memory_space<vmem>>)
      %dma_start3A_177 = arith.constant 0 : i32
      %dma_start3A_178 = arith.constant 0 : i32
      %dma_start3A_179 = tpu.memref_slice %arg10[%rem3A_103, %dma_start3A_177, %dma_start3A_178] : memref<3x80x144xf32, #tpu.memory_space<vmem>> -> memref<1x80x144xf32, #tpu.memory_space<vmem>>
      %dma_start3A_180 = tpu.memref_squeeze %dma_start3A_179 : memref<1x80x144xf32, #tpu.memory_space<vmem>> -> memref<80x144xf32, #tpu.memory_space<vmem>>
      %dma_start3A_181 = arith.constant 0 : i32
      %dma_start3A_182 = tpu.memref_slice %arg9[%rem3A_103, %dma_start3A_181] : memref<3x80xi32, #tpu.memory_space<vmem>> -> memref<1x80xi32, #tpu.memory_space<vmem>>
      %dma_start3A_183 = tpu.memref_squeeze %dma_start3A_182 : memref<1x80xi32, #tpu.memory_space<vmem>> -> memref<80xi32, #tpu.memory_space<vmem>>
      %dma_start3A_184 = arith.constant 0 : i32
      %dma_start3A_185 = arith.constant 0 : i32
      %dma_start3A_186 = tpu.memref_slice %arg11[%dma_start3A_184, %dma_start3A_185] : memref<10016x144xf32, #tpu.memory_space<vmem_shared>> -> memref<10016x144xf32, #tpu.memory_space<vmem_shared>>
      %dma_start3A_187 = tpu.memref_slice %arg13[%rem3A_103] : memref<3x!tpu.dma_semaphore, #tpu.memory_space<semaphore_mem>> -> memref<1x!tpu.dma_semaphore, #tpu.memory_space<semaphore_mem>>
      %dma_start3A_188 = tpu.memref_squeeze %dma_start3A_187 : memref<1x!tpu.dma_semaphore, #tpu.memory_space<semaphore_mem>> -> memref<!tpu.dma_semaphore, #tpu.memory_space<semaphore_mem>>
      tpu.enqueue_indirect_dma source(%dma_start3A_180 : memref<80x144xf32, #tpu.memory_space<vmem>>) target(%dma_start3A_186 : memref<10016x144xf32, #tpu.memory_space<vmem_shared>>) offsets(%dma_start3A_183 : memref<80xi32, #tpu.memory_space<vmem>>) semaphore(%dma_start3A_188 : memref<!tpu.dma_semaphore, #tpu.memory_space<semaphore_mem>>) {add = true}
      %mul3A_189 = arith.constant 7 : i32
      %mul3A_190 = arith.muli %scan3A_92, %mul3A_189 : i32
      %add3A_191 = arith.constant 1 : i32
      %add3A_192 = arith.addi %mul3A_190, %add3A_191 : i32
      %rem3A_193 = arith.constant 3 : i32
      %rem3A_194 = arith.remsi %add3A_192, %rem3A_193 : i32
      %add3A_195 = arith.constant 1 : i32
      %add3A_196 = arith.addi %add3A_192, %add3A_195 : i32
      %rem3A_197 = arith.constant 3 : i32
      %rem3A_198 = arith.remsi %add3A_196, %rem3A_197 : i32
      %ge3A_199 = arith.constant 2 : i32
      %ge3A_200 = arith.cmpi sge, %add3A_192, %ge3A_199 : i32
      %convert_element_type3A_201 = arith.extui %ge3A_200 : i1 to i32
      %cond3A_202 = arith.constant 0 : i32
      %cond3A_203 = arith.cmpi ne, %convert_element_type3A_201, %cond3A_202 : i32
      scf.if %cond3A_203 {
        %dma_wait3A_761 = arith.constant 0 : i32
        %dma_wait3A_762 = arith.constant 0 : i32
        %dma_wait3A_763 = tpu.memref_slice %arg10[%rem3A_198, %dma_wait3A_761, %dma_wait3A_762] : memref<3x80x144xf32, #tpu.memory_space<vmem>> -> memref<1x80x144xf32, #tpu.memory_space<vmem>>
        %dma_wait3A_764 = tpu.memref_squeeze %dma_wait3A_763 : memref<1x80x144xf32, #tpu.memory_space<vmem>> -> memref<80x144xf32, #tpu.memory_space<vmem>>
        %dma_wait3A_765 = arith.constant 0 : i32
        %dma_wait3A_766 = tpu.memref_slice %arg9[%rem3A_198, %dma_wait3A_765] : memref<3x80xi32, #tpu.memory_space<vmem>> -> memref<1x80xi32, #tpu.memory_space<vmem>>
        %dma_wait3A_767 = tpu.memref_squeeze %dma_wait3A_766 : memref<1x80xi32, #tpu.memory_space<vmem>> -> memref<80xi32, #tpu.memory_space<vmem>>
        %dma_wait3A_768 = arith.constant 0 : i32
        %dma_wait3A_769 = arith.constant 0 : i32
        %dma_wait3A_770 = tpu.memref_slice %arg11[%dma_wait3A_768, %dma_wait3A_769] : memref<10016x144xf32, #tpu.memory_space<vmem_shared>> -> memref<10016x144xf32, #tpu.memory_space<vmem_shared>>
        %dma_wait3A_771 = tpu.memref_slice %arg13[%rem3A_198] : memref<3x!tpu.dma_semaphore, #tpu.memory_space<semaphore_mem>> -> memref<1x!tpu.dma_semaphore, #tpu.memory_space<semaphore_mem>>
        %dma_wait3A_772 = tpu.memref_squeeze %dma_wait3A_771 : memref<1x!tpu.dma_semaphore, #tpu.memory_space<semaphore_mem>> -> memref<!tpu.dma_semaphore, #tpu.memory_space<semaphore_mem>>
        tpu.wait_indirect_dma semaphore(%dma_wait3A_772 : memref<!tpu.dma_semaphore, #tpu.memory_space<semaphore_mem>>) src(%dma_wait3A_764 : memref<80x144xf32, #tpu.memory_space<vmem>>) dst(%dma_wait3A_770 : memref<10016x144xf32, #tpu.memory_space<vmem_shared>>)
      } else {
      }
      %dma_start3A_204 = arith.constant 0 : i32
      %dma_start3A_205 = arith.constant 0 : i32
      %dma_start3A_206 = tpu.memref_slice %arg10[%rem3A_198, %dma_start3A_204, %dma_start3A_205] : memref<3x80x144xf32, #tpu.memory_space<vmem>> -> memref<1x80x144xf32, #tpu.memory_space<vmem>>
      %dma_start3A_207 = tpu.memref_squeeze %dma_start3A_206 : memref<1x80x144xf32, #tpu.memory_space<vmem>> -> memref<80x144xf32, #tpu.memory_space<vmem>>
      %dma_start3A_208 = arith.constant 160 : i32
      %dma_start3A_209 = tpu.memref_slice %arg7[%rem3A_93, %dma_start3A_208] : memref<2x560xi32, #tpu.memory_space<vmem>> -> memref<1x80xi32, #tpu.memory_space<vmem>>
      %dma_start3A_210 = tpu.memref_squeeze %dma_start3A_209 : memref<1x80xi32, #tpu.memory_space<vmem>> -> memref<80xi32, #tpu.memory_space<vmem>>
      %dma_start3A_211 = arith.constant 0 : i32
      %dma_start3A_212 = arith.constant 0 : i32
      %dma_start3A_213 = tpu.memref_slice %arg2[%dma_start3A_211, %dma_start3A_212] : memref<10016x144xf32, #tpu.memory_space<hbm>> -> memref<10016x144xf32, #tpu.memory_space<hbm>>
      %dma_start3A_214 = tpu.memref_slice %arg12[%rem3A_198] : memref<3x!tpu.dma_semaphore, #tpu.memory_space<semaphore_mem>> -> memref<1x!tpu.dma_semaphore, #tpu.memory_space<semaphore_mem>>
      %dma_start3A_215 = tpu.memref_squeeze %dma_start3A_214 : memref<1x!tpu.dma_semaphore, #tpu.memory_space<semaphore_mem>> -> memref<!tpu.dma_semaphore, #tpu.memory_space<semaphore_mem>>
      tpu.enqueue_indirect_dma source(%dma_start3A_213 : memref<10016x144xf32, #tpu.memory_space<hbm>>) target(%dma_start3A_207 : memref<80x144xf32, #tpu.memory_space<vmem>>) offsets(%dma_start3A_210 : memref<80xi32, #tpu.memory_space<vmem>>) semaphore(%dma_start3A_215 : memref<!tpu.dma_semaphore, #tpu.memory_space<semaphore_mem>>)
      %get3A_216 = arith.index_cast %rem3A_93 : i32 to index
      %get3A_217 = arith.constant 80 : index
      %get3A_218 = tpu.vector_load %arg8[%get3A_216, %get3A_217] {strides = array<i32>} : memref<2x560xi32, #tpu.memory_space<vmem>>, vector<1x16xi32>,
      %get3A_219 = vector.shape_cast %get3A_218 : vector<1x16xi32> to vector<16xi32>
      %swap3A_220 = arith.index_cast %rem3A_194 : i32 to index
      %swap3A_221 = arith.constant 0 : index
      %swap3A_222 = tpu.vector_load %arg9[%swap3A_220, %swap3A_221] {strides = array<i32>} : memref<3x80xi32, #tpu.memory_space<vmem>>, vector<1x16xi32>,
      %swap3A_223 = vector.shape_cast %swap3A_222 : vector<1x16xi32> to vector<16xi32>
      %swap3A_224 = vector.shape_cast %get3A_219 : vector<16xi32> to vector<1x16xi32>
      tpu.vector_store %arg9[%swap3A_220, %swap3A_221], %swap3A_224 {strides = array<i32>} : memref<3x80xi32, #tpu.memory_space<vmem>>, vector<1x16xi32>,
      %get3A_225 = arith.index_cast %rem3A_93 : i32 to index
      %get3A_226 = arith.constant 96 : index
      %get3A_227 = tpu.vector_load %arg8[%get3A_225, %get3A_226] {strides = array<i32>} : memref<2x560xi32, #tpu.memory_space<vmem>>, vector<1x16xi32>,
      %get3A_228 = vector.shape_cast %get3A_227 : vector<1x16xi32> to vector<16xi32>
      %swap3A_229 = arith.index_cast %rem3A_194 : i32 to index
      %swap3A_230 = arith.constant 16 : index
      %swap3A_231 = tpu.vector_load %arg9[%swap3A_229, %swap3A_230] {strides = array<i32>} : memref<3x80xi32, #tpu.memory_space<vmem>>, vector<1x16xi32>,
      %swap3A_232 = vector.shape_cast %swap3A_231 : vector<1x16xi32> to vector<16xi32>
      %swap3A_233 = vector.shape_cast %get3A_228 : vector<16xi32> to vector<1x16xi32>
      tpu.vector_store %arg9[%swap3A_229, %swap3A_230], %swap3A_233 {strides = array<i32>} : memref<3x80xi32, #tpu.memory_space<vmem>>, vector<1x16xi32>,
      %get3A_234 = arith.index_cast %rem3A_93 : i32 to index
      %get3A_235 = arith.constant 112 : index
      %get3A_236 = tpu.vector_load %arg8[%get3A_234, %get3A_235] {strides = array<i32>} : memref<2x560xi32, #tpu.memory_space<vmem>>, vector<1x16xi32>,
      %get3A_237 = vector.shape_cast %get3A_236 : vector<1x16xi32> to vector<16xi32>
      %swap3A_238 = arith.index_cast %rem3A_194 : i32 to index
      %swap3A_239 = arith.constant 32 : index
      %swap3A_240 = tpu.vector_load %arg9[%swap3A_238, %swap3A_239] {strides = array<i32>} : memref<3x80xi32, #tpu.memory_space<vmem>>, vector<1x16xi32>,
      %swap3A_241 = vector.shape_cast %swap3A_240 : vector<1x16xi32> to vector<16xi32>
      %swap3A_242 = vector.shape_cast %get3A_237 : vector<16xi32> to vector<1x16xi32>
      tpu.vector_store %arg9[%swap3A_238, %swap3A_239], %swap3A_242 {strides = array<i32>} : memref<3x80xi32, #tpu.memory_space<vmem>>, vector<1x16xi32>,
      %get3A_243 = arith.index_cast %rem3A_93 : i32 to index
      %get3A_244 = arith.constant 128 : index
      %get3A_245 = tpu.vector_load %arg8[%get3A_243, %get3A_244] {strides = array<i32>} : memref<2x560xi32, #tpu.memory_space<vmem>>, vector<1x16xi32>,
      %get3A_246 = vector.shape_cast %get3A_245 : vector<1x16xi32> to vector<16xi32>
      %swap3A_247 = arith.index_cast %rem3A_194 : i32 to index
      %swap3A_248 = arith.constant 48 : index
      %swap3A_249 = tpu.vector_load %arg9[%swap3A_247, %swap3A_248] {strides = array<i32>} : memref<3x80xi32, #tpu.memory_space<vmem>>, vector<1x16xi32>,
      %swap3A_250 = vector.shape_cast %swap3A_249 : vector<1x16xi32> to vector<16xi32>
      %swap3A_251 = vector.shape_cast %get3A_246 : vector<16xi32> to vector<1x16xi32>
      tpu.vector_store %arg9[%swap3A_247, %swap3A_248], %swap3A_251 {strides = array<i32>} : memref<3x80xi32, #tpu.memory_space<vmem>>, vector<1x16xi32>,
      %get3A_252 = arith.index_cast %rem3A_93 : i32 to index
      %get3A_253 = arith.constant 144 : index
      %get3A_254 = tpu.vector_load %arg8[%get3A_252, %get3A_253] {strides = array<i32>} : memref<2x560xi32, #tpu.memory_space<vmem>>, vector<1x16xi32>,
      %get3A_255 = vector.shape_cast %get3A_254 : vector<1x16xi32> to vector<16xi32>
      %swap3A_256 = arith.index_cast %rem3A_194 : i32 to index
      %swap3A_257 = arith.constant 64 : index
      %swap3A_258 = tpu.vector_load %arg9[%swap3A_256, %swap3A_257] {strides = array<i32>} : memref<3x80xi32, #tpu.memory_space<vmem>>, vector<1x16xi32>,
      %swap3A_259 = vector.shape_cast %swap3A_258 : vector<1x16xi32> to vector<16xi32>
      %swap3A_260 = vector.shape_cast %get3A_255 : vector<16xi32> to vector<1x16xi32>
      tpu.vector_store %arg9[%swap3A_256, %swap3A_257], %swap3A_260 {strides = array<i32>} : memref<3x80xi32, #tpu.memory_space<vmem>>, vector<1x16xi32>,
      %dma_wait3A_261 = arith.constant 0 : i32
      %dma_wait3A_262 = arith.constant 0 : i32
      %dma_wait3A_263 = tpu.memref_slice %arg10[%rem3A_194, %dma_wait3A_261, %dma_wait3A_262] : memref<3x80x144xf32, #tpu.memory_space<vmem>> -> memref<1x80x144xf32, #tpu.memory_space<vmem>>
      %dma_wait3A_264 = tpu.memref_squeeze %dma_wait3A_263 : memref<1x80x144xf32, #tpu.memory_space<vmem>> -> memref<80x144xf32, #tpu.memory_space<vmem>>
      %dma_wait3A_265 = arith.constant 80 : i32
      %dma_wait3A_266 = tpu.memref_slice %arg7[%rem3A_93, %dma_wait3A_265] : memref<2x560xi32, #tpu.memory_space<vmem>> -> memref<1x80xi32, #tpu.memory_space<vmem>>
      %dma_wait3A_267 = tpu.memref_squeeze %dma_wait3A_266 : memref<1x80xi32, #tpu.memory_space<vmem>> -> memref<80xi32, #tpu.memory_space<vmem>>
      %dma_wait3A_268 = arith.constant 0 : i32
      %dma_wait3A_269 = arith.constant 0 : i32
      %dma_wait3A_270 = tpu.memref_slice %arg2[%dma_wait3A_268, %dma_wait3A_269] : memref<10016x144xf32, #tpu.memory_space<hbm>> -> memref<10016x144xf32, #tpu.memory_space<hbm>>
      %dma_wait3A_271 = tpu.memref_slice %arg12[%rem3A_194] : memref<3x!tpu.dma_semaphore, #tpu.memory_space<semaphore_mem>> -> memref<1x!tpu.dma_semaphore, #tpu.memory_space<semaphore_mem>>
      %dma_wait3A_272 = tpu.memref_squeeze %dma_wait3A_271 : memref<1x!tpu.dma_semaphore, #tpu.memory_space<semaphore_mem>> -> memref<!tpu.dma_semaphore, #tpu.memory_space<semaphore_mem>>
      tpu.wait_indirect_dma semaphore(%dma_wait3A_272 : memref<!tpu.dma_semaphore, #tpu.memory_space<semaphore_mem>>) src(%dma_wait3A_270 : memref<10016x144xf32, #tpu.memory_space<hbm>>) dst(%dma_wait3A_264 : memref<80x144xf32, #tpu.memory_space<vmem>>)
      %dma_start3A_273 = arith.constant 0 : i32
      %dma_start3A_274 = arith.constant 0 : i32
      %dma_start3A_275 = tpu.memref_slice %arg10[%rem3A_194, %dma_start3A_273, %dma_start3A_274] : memref<3x80x144xf32, #tpu.memory_space<vmem>> -> memref<1x80x144xf32, #tpu.memory_space<vmem>>
      %dma_start3A_276 = tpu.memref_squeeze %dma_start3A_275 : memref<1x80x144xf32, #tpu.memory_space<vmem>> -> memref<80x144xf32, #tpu.memory_space<vmem>>
      %dma_start3A_277 = arith.constant 0 : i32
      %dma_start3A_278 = tpu.memref_slice %arg9[%rem3A_194, %dma_start3A_277] : memref<3x80xi32, #tpu.memory_space<vmem>> -> memref<1x80xi32, #tpu.memory_space<vmem>>
      %dma_start3A_279 = tpu.memref_squeeze %dma_start3A_278 : memref<1x80xi32, #tpu.memory_space<vmem>> -> memref<80xi32, #tpu.memory_space<vmem>>
      %dma_start3A_280 = arith.constant 0 : i32
      %dma_start3A_281 = arith.constant 0 : i32
      %dma_start3A_282 = tpu.memref_slice %arg11[%dma_start3A_280, %dma_start3A_281] : memref<10016x144xf32, #tpu.memory_space<vmem_shared>> -> memref<10016x144xf32, #tpu.memory_space<vmem_shared>>
      %dma_start3A_283 = tpu.memref_slice %arg13[%rem3A_194] : memref<3x!tpu.dma_semaphore, #tpu.memory_space<semaphore_mem>> -> memref<1x!tpu.dma_semaphore, #tpu.memory_space<semaphore_mem>>
      %dma_start3A_284 = tpu.memref_squeeze %dma_start3A_283 : memref<1x!tpu.dma_semaphore, #tpu.memory_space<semaphore_mem>> -> memref<!tpu.dma_semaphore, #tpu.memory_space<semaphore_mem>>
      tpu.enqueue_indirect_dma source(%dma_start3A_276 : memref<80x144xf32, #tpu.memory_space<vmem>>) target(%dma_start3A_282 : memref<10016x144xf32, #tpu.memory_space<vmem_shared>>) offsets(%dma_start3A_279 : memref<80xi32, #tpu.memory_space<vmem>>) semaphore(%dma_start3A_284 : memref<!tpu.dma_semaphore, #tpu.memory_space<semaphore_mem>>) {add = true}
      %mul3A_285 = arith.constant 7 : i32
      %mul3A_286 = arith.muli %scan3A_92, %mul3A_285 : i32
      %add3A_287 = arith.constant 2 : i32
      %add3A_288 = arith.addi %mul3A_286, %add3A_287 : i32
      %rem3A_289 = arith.constant 3 : i32
      %rem3A_290 = arith.remsi %add3A_288, %rem3A_289 : i32
      %add3A_291 = arith.constant 1 : i32
      %add3A_292 = arith.addi %add3A_288, %add3A_291 : i32
      %rem3A_293 = arith.constant 3 : i32
      %rem3A_294 = arith.remsi %add3A_292, %rem3A_293 : i32
      %ge3A_295 = arith.constant 2 : i32
      %ge3A_296 = arith.cmpi sge, %add3A_288, %ge3A_295 : i32
      %convert_element_type3A_297 = arith.extui %ge3A_296 : i1 to i32
      %cond3A_298 = arith.constant 0 : i32
      %cond3A_299 = arith.cmpi ne, %convert_element_type3A_297, %cond3A_298 : i32
      scf.if %cond3A_299 {
        %dma_wait3A_761 = arith.constant 0 : i32
        %dma_wait3A_762 = arith.constant 0 : i32
        %dma_wait3A_763 = tpu.memref_slice %arg10[%rem3A_294, %dma_wait3A_761, %dma_wait3A_762] : memref<3x80x144xf32, #tpu.memory_space<vmem>> -> memref<1x80x144xf32, #tpu.memory_space<vmem>>
        %dma_wait3A_764 = tpu.memref_squeeze %dma_wait3A_763 : memref<1x80x144xf32, #tpu.memory_space<vmem>> -> memref<80x144xf32, #tpu.memory_space<vmem>>
        %dma_wait3A_765 = arith.constant 0 : i32
        %dma_wait3A_766 = tpu.memref_slice %arg9[%rem3A_294, %dma_wait3A_765] : memref<3x80xi32, #tpu.memory_space<vmem>> -> memref<1x80xi32, #tpu.memory_space<vmem>>
        %dma_wait3A_767 = tpu.memref_squeeze %dma_wait3A_766 : memref<1x80xi32, #tpu.memory_space<vmem>> -> memref<80xi32, #tpu.memory_space<vmem>>
        %dma_wait3A_768 = arith.constant 0 : i32
        %dma_wait3A_769 = arith.constant 0 : i32
        %dma_wait3A_770 = tpu.memref_slice %arg11[%dma_wait3A_768, %dma_wait3A_769] : memref<10016x144xf32, #tpu.memory_space<vmem_shared>> -> memref<10016x144xf32, #tpu.memory_space<vmem_shared>>
        %dma_wait3A_771 = tpu.memref_slice %arg13[%rem3A_294] : memref<3x!tpu.dma_semaphore, #tpu.memory_space<semaphore_mem>> -> memref<1x!tpu.dma_semaphore, #tpu.memory_space<semaphore_mem>>
        %dma_wait3A_772 = tpu.memref_squeeze %dma_wait3A_771 : memref<1x!tpu.dma_semaphore, #tpu.memory_space<semaphore_mem>> -> memref<!tpu.dma_semaphore, #tpu.memory_space<semaphore_mem>>
        tpu.wait_indirect_dma semaphore(%dma_wait3A_772 : memref<!tpu.dma_semaphore, #tpu.memory_space<semaphore_mem>>) src(%dma_wait3A_764 : memref<80x144xf32, #tpu.memory_space<vmem>>) dst(%dma_wait3A_770 : memref<10016x144xf32, #tpu.memory_space<vmem_shared>>)
      } else {
      }
      %dma_start3A_300 = arith.constant 0 : i32
      %dma_start3A_301 = arith.constant 0 : i32
      %dma_start3A_302 = tpu.memref_slice %arg10[%rem3A_294, %dma_start3A_300, %dma_start3A_301] : memref<3x80x144xf32, #tpu.memory_space<vmem>> -> memref<1x80x144xf32, #tpu.memory_space<vmem>>
      %dma_start3A_303 = tpu.memref_squeeze %dma_start3A_302 : memref<1x80x144xf32, #tpu.memory_space<vmem>> -> memref<80x144xf32, #tpu.memory_space<vmem>>
      %dma_start3A_304 = arith.constant 240 : i32
      %dma_start3A_305 = tpu.memref_slice %arg7[%rem3A_93, %dma_start3A_304] : memref<2x560xi32, #tpu.memory_space<vmem>> -> memref<1x80xi32, #tpu.memory_space<vmem>>
      %dma_start3A_306 = tpu.memref_squeeze %dma_start3A_305 : memref<1x80xi32, #tpu.memory_space<vmem>> -> memref<80xi32, #tpu.memory_space<vmem>>
      %dma_start3A_307 = arith.constant 0 : i32
      %dma_start3A_308 = arith.constant 0 : i32
      %dma_start3A_309 = tpu.memref_slice %arg2[%dma_start3A_307, %dma_start3A_308] : memref<10016x144xf32, #tpu.memory_space<hbm>> -> memref<10016x144xf32, #tpu.memory_space<hbm>>
      %dma_start3A_310 = tpu.memref_slice %arg12[%rem3A_294] : memref<3x!tpu.dma_semaphore, #tpu.memory_space<semaphore_mem>> -> memref<1x!tpu.dma_semaphore, #tpu.memory_space<semaphore_mem>>
      %dma_start3A_311 = tpu.memref_squeeze %dma_start3A_310 : memref<1x!tpu.dma_semaphore, #tpu.memory_space<semaphore_mem>> -> memref<!tpu.dma_semaphore, #tpu.memory_space<semaphore_mem>>
      tpu.enqueue_indirect_dma source(%dma_start3A_309 : memref<10016x144xf32, #tpu.memory_space<hbm>>) target(%dma_start3A_303 : memref<80x144xf32, #tpu.memory_space<vmem>>) offsets(%dma_start3A_306 : memref<80xi32, #tpu.memory_space<vmem>>) semaphore(%dma_start3A_311 : memref<!tpu.dma_semaphore, #tpu.memory_space<semaphore_mem>>)
      %get3A_312 = arith.index_cast %rem3A_93 : i32 to index
      %get3A_313 = arith.constant 160 : index
      %get3A_314 = tpu.vector_load %arg8[%get3A_312, %get3A_313] {strides = array<i32>} : memref<2x560xi32, #tpu.memory_space<vmem>>, vector<1x16xi32>,
      %get3A_315 = vector.shape_cast %get3A_314 : vector<1x16xi32> to vector<16xi32>
      %swap3A_316 = arith.index_cast %rem3A_290 : i32 to index
      %swap3A_317 = arith.constant 0 : index
      %swap3A_318 = tpu.vector_load %arg9[%swap3A_316, %swap3A_317] {strides = array<i32>} : memref<3x80xi32, #tpu.memory_space<vmem>>, vector<1x16xi32>,
      %swap3A_319 = vector.shape_cast %swap3A_318 : vector<1x16xi32> to vector<16xi32>
      %swap3A_320 = vector.shape_cast %get3A_315 : vector<16xi32> to vector<1x16xi32>
      tpu.vector_store %arg9[%swap3A_316, %swap3A_317], %swap3A_320 {strides = array<i32>} : memref<3x80xi32, #tpu.memory_space<vmem>>, vector<1x16xi32>,
      %get3A_321 = arith.index_cast %rem3A_93 : i32 to index
      %get3A_322 = arith.constant 176 : index
      %get3A_323 = tpu.vector_load %arg8[%get3A_321, %get3A_322] {strides = array<i32>} : memref<2x560xi32, #tpu.memory_space<vmem>>, vector<1x16xi32>,
      %get3A_324 = vector.shape_cast %get3A_323 : vector<1x16xi32> to vector<16xi32>
      %swap3A_325 = arith.index_cast %rem3A_290 : i32 to index
      %swap3A_326 = arith.constant 16 : index
      %swap3A_327 = tpu.vector_load %arg9[%swap3A_325, %swap3A_326] {strides = array<i32>} : memref<3x80xi32, #tpu.memory_space<vmem>>, vector<1x16xi32>,
      %swap3A_328 = vector.shape_cast %swap3A_327 : vector<1x16xi32> to vector<16xi32>
      %swap3A_329 = vector.shape_cast %get3A_324 : vector<16xi32> to vector<1x16xi32>
      tpu.vector_store %arg9[%swap3A_325, %swap3A_326], %swap3A_329 {strides = array<i32>} : memref<3x80xi32, #tpu.memory_space<vmem>>, vector<1x16xi32>,
      %get3A_330 = arith.index_cast %rem3A_93 : i32 to index
      %get3A_331 = arith.constant 192 : index
      %get3A_332 = tpu.vector_load %arg8[%get3A_330, %get3A_331] {strides = array<i32>} : memref<2x560xi32, #tpu.memory_space<vmem>>, vector<1x16xi32>,
      %get3A_333 = vector.shape_cast %get3A_332 : vector<1x16xi32> to vector<16xi32>
      %swap3A_334 = arith.index_cast %rem3A_290 : i32 to index
      %swap3A_335 = arith.constant 32 : index
      %swap3A_336 = tpu.vector_load %arg9[%swap3A_334, %swap3A_335] {strides = array<i32>} : memref<3x80xi32, #tpu.memory_space<vmem>>, vector<1x16xi32>,
      %swap3A_337 = vector.shape_cast %swap3A_336 : vector<1x16xi32> to vector<16xi32>
      %swap3A_338 = vector.shape_cast %get3A_333 : vector<16xi32> to vector<1x16xi32>
      tpu.vector_store %arg9[%swap3A_334, %swap3A_335], %swap3A_338 {strides = array<i32>} : memref<3x80xi32, #tpu.memory_space<vmem>>, vector<1x16xi32>,
      %get3A_339 = arith.index_cast %rem3A_93 : i32 to index
      %get3A_340 = arith.constant 208 : index
      %get3A_341 = tpu.vector_load %arg8[%get3A_339, %get3A_340] {strides = array<i32>} : memref<2x560xi32, #tpu.memory_space<vmem>>, vector<1x16xi32>,
      %get3A_342 = vector.shape_cast %get3A_341 : vector<1x16xi32> to vector<16xi32>
      %swap3A_343 = arith.index_cast %rem3A_290 : i32 to index
      %swap3A_344 = arith.constant 48 : index
      %swap3A_345 = tpu.vector_load %arg9[%swap3A_343, %swap3A_344] {strides = array<i32>} : memref<3x80xi32, #tpu.memory_space<vmem>>, vector<1x16xi32>,
      %swap3A_346 = vector.shape_cast %swap3A_345 : vector<1x16xi32> to vector<16xi32>
      %swap3A_347 = vector.shape_cast %get3A_342 : vector<16xi32> to vector<1x16xi32>
      tpu.vector_store %arg9[%swap3A_343, %swap3A_344], %swap3A_347 {strides = array<i32>} : memref<3x80xi32, #tpu.memory_space<vmem>>, vector<1x16xi32>,
      %get3A_348 = arith.index_cast %rem3A_93 : i32 to index
      %get3A_349 = arith.constant 224 : index
      %get3A_350 = tpu.vector_load %arg8[%get3A_348, %get3A_349] {strides = array<i32>} : memref<2x560xi32, #tpu.memory_space<vmem>>, vector<1x16xi32>,
      %get3A_351 = vector.shape_cast %get3A_350 : vector<1x16xi32> to vector<16xi32>
      %swap3A_352 = arith.index_cast %rem3A_290 : i32 to index
      %swap3A_353 = arith.constant 64 : index
      %swap3A_354 = tpu.vector_load %arg9[%swap3A_352, %swap3A_353] {strides = array<i32>} : memref<3x80xi32, #tpu.memory_space<vmem>>, vector<1x16xi32>,
      %swap3A_355 = vector.shape_cast %swap3A_354 : vector<1x16xi32> to vector<16xi32>
      %swap3A_356 = vector.shape_cast %get3A_351 : vector<16xi32> to vector<1x16xi32>
      tpu.vector_store %arg9[%swap3A_352, %swap3A_353], %swap3A_356 {strides = array<i32>} : memref<3x80xi32, #tpu.memory_space<vmem>>, vector<1x16xi32>,
      %dma_wait3A_357 = arith.constant 0 : i32
      %dma_wait3A_358 = arith.constant 0 : i32
      %dma_wait3A_359 = tpu.memref_slice %arg10[%rem3A_290, %dma_wait3A_357, %dma_wait3A_358] : memref<3x80x144xf32, #tpu.memory_space<vmem>> -> memref<1x80x144xf32, #tpu.memory_space<vmem>>
      %dma_wait3A_360 = tpu.memref_squeeze %dma_wait3A_359 : memref<1x80x144xf32, #tpu.memory_space<vmem>> -> memref<80x144xf32, #tpu.memory_space<vmem>>
      %dma_wait3A_361 = arith.constant 160 : i32
      %dma_wait3A_362 = tpu.memref_slice %arg7[%rem3A_93, %dma_wait3A_361] : memref<2x560xi32, #tpu.memory_space<vmem>> -> memref<1x80xi32, #tpu.memory_space<vmem>>
      %dma_wait3A_363 = tpu.memref_squeeze %dma_wait3A_362 : memref<1x80xi32, #tpu.memory_space<vmem>> -> memref<80xi32, #tpu.memory_space<vmem>>
      %dma_wait3A_364 = arith.constant 0 : i32
      %dma_wait3A_365 = arith.constant 0 : i32
      %dma_wait3A_366 = tpu.memref_slice %arg2[%dma_wait3A_364, %dma_wait3A_365] : memref<10016x144xf32, #tpu.memory_space<hbm>> -> memref<10016x144xf32, #tpu.memory_space<hbm>>
      %dma_wait3A_367 = tpu.memref_slice %arg12[%rem3A_290] : memref<3x!tpu.dma_semaphore, #tpu.memory_space<semaphore_mem>> -> memref<1x!tpu.dma_semaphore, #tpu.memory_space<semaphore_mem>>
      %dma_wait3A_368 = tpu.memref_squeeze %dma_wait3A_367 : memref<1x!tpu.dma_semaphore, #tpu.memory_space<semaphore_mem>> -> memref<!tpu.dma_semaphore, #tpu.memory_space<semaphore_mem>>
      tpu.wait_indirect_dma semaphore(%dma_wait3A_368 : memref<!tpu.dma_semaphore, #tpu.memory_space<semaphore_mem>>) src(%dma_wait3A_366 : memref<10016x144xf32, #tpu.memory_space<hbm>>) dst(%dma_wait3A_360 : memref<80x144xf32, #tpu.memory_space<vmem>>)
      %dma_start3A_369 = arith.constant 0 : i32
      %dma_start3A_370 = arith.constant 0 : i32
      %dma_start3A_371 = tpu.memref_slice %arg10[%rem3A_290, %dma_start3A_369, %dma_start3A_370] : memref<3x80x144xf32, #tpu.memory_space<vmem>> -> memref<1x80x144xf32, #tpu.memory_space<vmem>>
      %dma_start3A_372 = tpu.memref_squeeze %dma_start3A_371 : memref<1x80x144xf32, #tpu.memory_space<vmem>> -> memref<80x144xf32, #tpu.memory_space<vmem>>
      %dma_start3A_373 = arith.constant 0 : i32
      %dma_start3A_374 = tpu.memref_slice %arg9[%rem3A_290, %dma_start3A_373] : memref<3x80xi32, #tpu.memory_space<vmem>> -> memref<1x80xi32, #tpu.memory_space<vmem>>
      %dma_start3A_375 = tpu.memref_squeeze %dma_start3A_374 : memref<1x80xi32, #tpu.memory_space<vmem>> -> memref<80xi32, #tpu.memory_space<vmem>>
      %dma_start3A_376 = arith.constant 0 : i32
      %dma_start3A_377 = arith.constant 0 : i32
      %dma_start3A_378 = tpu.memref_slice %arg11[%dma_start3A_376, %dma_start3A_377] : memref<10016x144xf32, #tpu.memory_space<vmem_shared>> -> memref<10016x144xf32, #tpu.memory_space<vmem_shared>>
      %dma_start3A_379 = tpu.memref_slice %arg13[%rem3A_290] : memref<3x!tpu.dma_semaphore, #tpu.memory_space<semaphore_mem>> -> memref<1x!tpu.dma_semaphore, #tpu.memory_space<semaphore_mem>>
      %dma_start3A_380 = tpu.memref_squeeze %dma_start3A_379 : memref<1x!tpu.dma_semaphore, #tpu.memory_space<semaphore_mem>> -> memref<!tpu.dma_semaphore, #tpu.memory_space<semaphore_mem>>
      tpu.enqueue_indirect_dma source(%dma_start3A_372 : memref<80x144xf32, #tpu.memory_space<vmem>>) target(%dma_start3A_378 : memref<10016x144xf32, #tpu.memory_space<vmem_shared>>) offsets(%dma_start3A_375 : memref<80xi32, #tpu.memory_space<vmem>>) semaphore(%dma_start3A_380 : memref<!tpu.dma_semaphore, #tpu.memory_space<semaphore_mem>>) {add = true}
      %mul3A_381 = arith.constant 7 : i32
      %mul3A_382 = arith.muli %scan3A_92, %mul3A_381 : i32
      %add3A_383 = arith.constant 3 : i32
      %add3A_384 = arith.addi %mul3A_382, %add3A_383 : i32
      %rem3A_385 = arith.constant 3 : i32
      %rem3A_386 = arith.remsi %add3A_384, %rem3A_385 : i32
      %add3A_387 = arith.constant 1 : i32
      %add3A_388 = arith.addi %add3A_384, %add3A_387 : i32
      %rem3A_389 = arith.constant 3 : i32
      %rem3A_390 = arith.remsi %add3A_388, %rem3A_389 : i32
      %ge3A_391 = arith.constant 2 : i32
      %ge3A_392 = arith.cmpi sge, %add3A_384, %ge3A_391 : i32
      %convert_element_type3A_393 = arith.extui %ge3A_392 : i1 to i32
      %cond3A_394 = arith.constant 0 : i32
      %cond3A_395 = arith.cmpi ne, %convert_element_type3A_393, %cond3A_394 : i32
      scf.if %cond3A_395 {
        %dma_wait3A_761 = arith.constant 0 : i32
        %dma_wait3A_762 = arith.constant 0 : i32
        %dma_wait3A_763 = tpu.memref_slice %arg10[%rem3A_390, %dma_wait3A_761, %dma_wait3A_762] : memref<3x80x144xf32, #tpu.memory_space<vmem>> -> memref<1x80x144xf32, #tpu.memory_space<vmem>>
        %dma_wait3A_764 = tpu.memref_squeeze %dma_wait3A_763 : memref<1x80x144xf32, #tpu.memory_space<vmem>> -> memref<80x144xf32, #tpu.memory_space<vmem>>
        %dma_wait3A_765 = arith.constant 0 : i32
        %dma_wait3A_766 = tpu.memref_slice %arg9[%rem3A_390, %dma_wait3A_765] : memref<3x80xi32, #tpu.memory_space<vmem>> -> memref<1x80xi32, #tpu.memory_space<vmem>>
        %dma_wait3A_767 = tpu.memref_squeeze %dma_wait3A_766 : memref<1x80xi32, #tpu.memory_space<vmem>> -> memref<80xi32, #tpu.memory_space<vmem>>
        %dma_wait3A_768 = arith.constant 0 : i32
        %dma_wait3A_769 = arith.constant 0 : i32
        %dma_wait3A_770 = tpu.memref_slice %arg11[%dma_wait3A_768, %dma_wait3A_769] : memref<10016x144xf32, #tpu.memory_space<vmem_shared>> -> memref<10016x144xf32, #tpu.memory_space<vmem_shared>>
        %dma_wait3A_771 = tpu.memref_slice %arg13[%rem3A_390] : memref<3x!tpu.dma_semaphore, #tpu.memory_space<semaphore_mem>> -> memref<1x!tpu.dma_semaphore, #tpu.memory_space<semaphore_mem>>
        %dma_wait3A_772 = tpu.memref_squeeze %dma_wait3A_771 : memref<1x!tpu.dma_semaphore, #tpu.memory_space<semaphore_mem>> -> memref<!tpu.dma_semaphore, #tpu.memory_space<semaphore_mem>>
        tpu.wait_indirect_dma semaphore(%dma_wait3A_772 : memref<!tpu.dma_semaphore, #tpu.memory_space<semaphore_mem>>) src(%dma_wait3A_764 : memref<80x144xf32, #tpu.memory_space<vmem>>) dst(%dma_wait3A_770 : memref<10016x144xf32, #tpu.memory_space<vmem_shared>>)
      } else {
      }
      %dma_start3A_396 = arith.constant 0 : i32
      %dma_start3A_397 = arith.constant 0 : i32
      %dma_start3A_398 = tpu.memref_slice %arg10[%rem3A_390, %dma_start3A_396, %dma_start3A_397] : memref<3x80x144xf32, #tpu.memory_space<vmem>> -> memref<1x80x144xf32, #tpu.memory_space<vmem>>
      %dma_start3A_399 = tpu.memref_squeeze %dma_start3A_398 : memref<1x80x144xf32, #tpu.memory_space<vmem>> -> memref<80x144xf32, #tpu.memory_space<vmem>>
      %dma_start3A_400 = arith.constant 320 : i32
      %dma_start3A_401 = tpu.memref_slice %arg7[%rem3A_93, %dma_start3A_400] : memref<2x560xi32, #tpu.memory_space<vmem>> -> memref<1x80xi32, #tpu.memory_space<vmem>>
      %dma_start3A_402 = tpu.memref_squeeze %dma_start3A_401 : memref<1x80xi32, #tpu.memory_space<vmem>> -> memref<80xi32, #tpu.memory_space<vmem>>
      %dma_start3A_403 = arith.constant 0 : i32
      %dma_start3A_404 = arith.constant 0 : i32
      %dma_start3A_405 = tpu.memref_slice %arg2[%dma_start3A_403, %dma_start3A_404] : memref<10016x144xf32, #tpu.memory_space<hbm>> -> memref<10016x144xf32, #tpu.memory_space<hbm>>
      %dma_start3A_406 = tpu.memref_slice %arg12[%rem3A_390] : memref<3x!tpu.dma_semaphore, #tpu.memory_space<semaphore_mem>> -> memref<1x!tpu.dma_semaphore, #tpu.memory_space<semaphore_mem>>
      %dma_start3A_407 = tpu.memref_squeeze %dma_start3A_406 : memref<1x!tpu.dma_semaphore, #tpu.memory_space<semaphore_mem>> -> memref<!tpu.dma_semaphore, #tpu.memory_space<semaphore_mem>>
      tpu.enqueue_indirect_dma source(%dma_start3A_405 : memref<10016x144xf32, #tpu.memory_space<hbm>>) target(%dma_start3A_399 : memref<80x144xf32, #tpu.memory_space<vmem>>) offsets(%dma_start3A_402 : memref<80xi32, #tpu.memory_space<vmem>>) semaphore(%dma_start3A_407 : memref<!tpu.dma_semaphore, #tpu.memory_space<semaphore_mem>>)
      %get3A_408 = arith.index_cast %rem3A_93 : i32 to index
      %get3A_409 = arith.constant 240 : index
      %get3A_410 = tpu.vector_load %arg8[%get3A_408, %get3A_409] {strides = array<i32>} : memref<2x560xi32, #tpu.memory_space<vmem>>, vector<1x16xi32>,
      %get3A_411 = vector.shape_cast %get3A_410 : vector<1x16xi32> to vector<16xi32>
      %swap3A_412 = arith.index_cast %rem3A_386 : i32 to index
      %swap3A_413 = arith.constant 0 : index
      %swap3A_414 = tpu.vector_load %arg9[%swap3A_412, %swap3A_413] {strides = array<i32>} : memref<3x80xi32, #tpu.memory_space<vmem>>, vector<1x16xi32>,
      %swap3A_415 = vector.shape_cast %swap3A_414 : vector<1x16xi32> to vector<16xi32>
      %swap3A_416 = vector.shape_cast %get3A_411 : vector<16xi32> to vector<1x16xi32>
      tpu.vector_store %arg9[%swap3A_412, %swap3A_413], %swap3A_416 {strides = array<i32>} : memref<3x80xi32, #tpu.memory_space<vmem>>, vector<1x16xi32>,
      %get3A_417 = arith.index_cast %rem3A_93 : i32 to index
      %get3A_418 = arith.constant 256 : index
      %get3A_419 = tpu.vector_load %arg8[%get3A_417, %get3A_418] {strides = array<i32>} : memref<2x560xi32, #tpu.memory_space<vmem>>, vector<1x16xi32>,
      %get3A_420 = vector.shape_cast %get3A_419 : vector<1x16xi32> to vector<16xi32>
      %swap3A_421 = arith.index_cast %rem3A_386 : i32 to index
      %swap3A_422 = arith.constant 16 : index
      %swap3A_423 = tpu.vector_load %arg9[%swap3A_421, %swap3A_422] {strides = array<i32>} : memref<3x80xi32, #tpu.memory_space<vmem>>, vector<1x16xi32>,
      %swap3A_424 = vector.shape_cast %swap3A_423 : vector<1x16xi32> to vector<16xi32>
      %swap3A_425 = vector.shape_cast %get3A_420 : vector<16xi32> to vector<1x16xi32>
      tpu.vector_store %arg9[%swap3A_421, %swap3A_422], %swap3A_425 {strides = array<i32>} : memref<3x80xi32, #tpu.memory_space<vmem>>, vector<1x16xi32>,
      %get3A_426 = arith.index_cast %rem3A_93 : i32 to index
      %get3A_427 = arith.constant 272 : index
      %get3A_428 = tpu.vector_load %arg8[%get3A_426, %get3A_427] {strides = array<i32>} : memref<2x560xi32, #tpu.memory_space<vmem>>, vector<1x16xi32>,
      %get3A_429 = vector.shape_cast %get3A_428 : vector<1x16xi32> to vector<16xi32>
      %swap3A_430 = arith.index_cast %rem3A_386 : i32 to index
      %swap3A_431 = arith.constant 32 : index
      %swap3A_432 = tpu.vector_load %arg9[%swap3A_430, %swap3A_431] {strides = array<i32>} : memref<3x80xi32, #tpu.memory_space<vmem>>, vector<1x16xi32>,
      %swap3A_433 = vector.shape_cast %swap3A_432 : vector<1x16xi32> to vector<16xi32>
      %swap3A_434 = vector.shape_cast %get3A_429 : vector<16xi32> to vector<1x16xi32>
      tpu.vector_store %arg9[%swap3A_430, %swap3A_431], %swap3A_434 {strides = array<i32>} : memref<3x80xi32, #tpu.memory_space<vmem>>, vector<1x16xi32>,
      %get3A_435 = arith.index_cast %rem3A_93 : i32 to index
      %get3A_436 = arith.constant 288 : index
      %get3A_437 = tpu.vector_load %arg8[%get3A_435, %get3A_436] {strides = array<i32>} : memref<2x560xi32, #tpu.memory_space<vmem>>, vector<1x16xi32>,
      %get3A_438 = vector.shape_cast %get3A_437 : vector<1x16xi32> to vector<16xi32>
      %swap3A_439 = arith.index_cast %rem3A_386 : i32 to index
      %swap3A_440 = arith.constant 48 : index
      %swap3A_441 = tpu.vector_load %arg9[%swap3A_439, %swap3A_440] {strides = array<i32>} : memref<3x80xi32, #tpu.memory_space<vmem>>, vector<1x16xi32>,
      %swap3A_442 = vector.shape_cast %swap3A_441 : vector<1x16xi32> to vector<16xi32>
      %swap3A_443 = vector.shape_cast %get3A_438 : vector<16xi32> to vector<1x16xi32>
      tpu.vector_store %arg9[%swap3A_439, %swap3A_440], %swap3A_443 {strides = array<i32>} : memref<3x80xi32, #tpu.memory_space<vmem>>, vector<1x16xi32>,
      %get3A_444 = arith.index_cast %rem3A_93 : i32 to index
      %get3A_445 = arith.constant 304 : index
      %get3A_446 = tpu.vector_load %arg8[%get3A_444, %get3A_445] {strides = array<i32>} : memref<2x560xi32, #tpu.memory_space<vmem>>, vector<1x16xi32>,
      %get3A_447 = vector.shape_cast %get3A_446 : vector<1x16xi32> to vector<16xi32>
      %swap3A_448 = arith.index_cast %rem3A_386 : i32 to index
      %swap3A_449 = arith.constant 64 : index
      %swap3A_450 = tpu.vector_load %arg9[%swap3A_448, %swap3A_449] {strides = array<i32>} : memref<3x80xi32, #tpu.memory_space<vmem>>, vector<1x16xi32>,
      %swap3A_451 = vector.shape_cast %swap3A_450 : vector<1x16xi32> to vector<16xi32>
      %swap3A_452 = vector.shape_cast %get3A_447 : vector<16xi32> to vector<1x16xi32>
      tpu.vector_store %arg9[%swap3A_448, %swap3A_449], %swap3A_452 {strides = array<i32>} : memref<3x80xi32, #tpu.memory_space<vmem>>, vector<1x16xi32>,
      %dma_wait3A_453 = arith.constant 0 : i32
      %dma_wait3A_454 = arith.constant 0 : i32
      %dma_wait3A_455 = tpu.memref_slice %arg10[%rem3A_386, %dma_wait3A_453, %dma_wait3A_454] : memref<3x80x144xf32, #tpu.memory_space<vmem>> -> memref<1x80x144xf32, #tpu.memory_space<vmem>>
      %dma_wait3A_456 = tpu.memref_squeeze %dma_wait3A_455 : memref<1x80x144xf32, #tpu.memory_space<vmem>> -> memref<80x144xf32, #tpu.memory_space<vmem>>
      %dma_wait3A_457 = arith.constant 240 : i32
      %dma_wait3A_458 = tpu.memref_slice %arg7[%rem3A_93, %dma_wait3A_457] : memref<2x560xi32, #tpu.memory_space<vmem>> -> memref<1x80xi32, #tpu.memory_space<vmem>>
      %dma_wait3A_459 = tpu.memref_squeeze %dma_wait3A_458 : memref<1x80xi32, #tpu.memory_space<vmem>> -> memref<80xi32, #tpu.memory_space<vmem>>
      %dma_wait3A_460 = arith.constant 0 : i32
      %dma_wait3A_461 = arith.constant 0 : i32
      %dma_wait3A_462 = tpu.memref_slice %arg2[%dma_wait3A_460, %dma_wait3A_461] : memref<10016x144xf32, #tpu.memory_space<hbm>> -> memref<10016x144xf32, #tpu.memory_space<hbm>>
      %dma_wait3A_463 = tpu.memref_slice %arg12[%rem3A_386] : memref<3x!tpu.dma_semaphore, #tpu.memory_space<semaphore_mem>> -> memref<1x!tpu.dma_semaphore, #tpu.memory_space<semaphore_mem>>
      %dma_wait3A_464 = tpu.memref_squeeze %dma_wait3A_463 : memref<1x!tpu.dma_semaphore, #tpu.memory_space<semaphore_mem>> -> memref<!tpu.dma_semaphore, #tpu.memory_space<semaphore_mem>>
      tpu.wait_indirect_dma semaphore(%dma_wait3A_464 : memref<!tpu.dma_semaphore, #tpu.memory_space<semaphore_mem>>) src(%dma_wait3A_462 : memref<10016x144xf32, #tpu.memory_space<hbm>>) dst(%dma_wait3A_456 : memref<80x144xf32, #tpu.memory_space<vmem>>)
      %dma_start3A_465 = arith.constant 0 : i32
      %dma_start3A_466 = arith.constant 0 : i32
      %dma_start3A_467 = tpu.memref_slice %arg10[%rem3A_386, %dma_start3A_465, %dma_start3A_466] : memref<3x80x144xf32, #tpu.memory_space<vmem>> -> memref<1x80x144xf32, #tpu.memory_space<vmem>>
      %dma_start3A_468 = tpu.memref_squeeze %dma_start3A_467 : memref<1x80x144xf32, #tpu.memory_space<vmem>> -> memref<80x144xf32, #tpu.memory_space<vmem>>
      %dma_start3A_469 = arith.constant 0 : i32
      %dma_start3A_470 = tpu.memref_slice %arg9[%rem3A_386, %dma_start3A_469] : memref<3x80xi32, #tpu.memory_space<vmem>> -> memref<1x80xi32, #tpu.memory_space<vmem>>
      %dma_start3A_471 = tpu.memref_squeeze %dma_start3A_470 : memref<1x80xi32, #tpu.memory_space<vmem>> -> memref<80xi32, #tpu.memory_space<vmem>>
      %dma_start3A_472 = arith.constant 0 : i32
      %dma_start3A_473 = arith.constant 0 : i32
      %dma_start3A_474 = tpu.memref_slice %arg11[%dma_start3A_472, %dma_start3A_473] : memref<10016x144xf32, #tpu.memory_space<vmem_shared>> -> memref<10016x144xf32, #tpu.memory_space<vmem_shared>>
      %dma_start3A_475 = tpu.memref_slice %arg13[%rem3A_386] : memref<3x!tpu.dma_semaphore, #tpu.memory_space<semaphore_mem>> -> memref<1x!tpu.dma_semaphore, #tpu.memory_space<semaphore_mem>>
      %dma_start3A_476 = tpu.memref_squeeze %dma_start3A_475 : memref<1x!tpu.dma_semaphore, #tpu.memory_space<semaphore_mem>> -> memref<!tpu.dma_semaphore, #tpu.memory_space<semaphore_mem>>
      tpu.enqueue_indirect_dma source(%dma_start3A_468 : memref<80x144xf32, #tpu.memory_space<vmem>>) target(%dma_start3A_474 : memref<10016x144xf32, #tpu.memory_space<vmem_shared>>) offsets(%dma_start3A_471 : memref<80xi32, #tpu.memory_space<vmem>>) semaphore(%dma_start3A_476 : memref<!tpu.dma_semaphore, #tpu.memory_space<semaphore_mem>>) {add = true}
      %mul3A_477 = arith.constant 7 : i32
      %mul3A_478 = arith.muli %scan3A_92, %mul3A_477 : i32
      %add3A_479 = arith.constant 4 : i32
      %add3A_480 = arith.addi %mul3A_478, %add3A_479 : i32
      %rem3A_481 = arith.constant 3 : i32
      %rem3A_482 = arith.remsi %add3A_480, %rem3A_481 : i32
      %add3A_483 = arith.constant 1 : i32
      %add3A_484 = arith.addi %add3A_480, %add3A_483 : i32
      %rem3A_485 = arith.constant 3 : i32
      %rem3A_486 = arith.remsi %add3A_484, %rem3A_485 : i32
      %ge3A_487 = arith.constant 2 : i32
      %ge3A_488 = arith.cmpi sge, %add3A_480, %ge3A_487 : i32
      %convert_element_type3A_489 = arith.extui %ge3A_488 : i1 to i32
      %cond3A_490 = arith.constant 0 : i32
      %cond3A_491 = arith.cmpi ne, %convert_element_type3A_489, %cond3A_490 : i32
      scf.if %cond3A_491 {
        %dma_wait3A_761 = arith.constant 0 : i32
        %dma_wait3A_762 = arith.constant 0 : i32
        %dma_wait3A_763 = tpu.memref_slice %arg10[%rem3A_486, %dma_wait3A_761, %dma_wait3A_762] : memref<3x80x144xf32, #tpu.memory_space<vmem>> -> memref<1x80x144xf32, #tpu.memory_space<vmem>>
        %dma_wait3A_764 = tpu.memref_squeeze %dma_wait3A_763 : memref<1x80x144xf32, #tpu.memory_space<vmem>> -> memref<80x144xf32, #tpu.memory_space<vmem>>
        %dma_wait3A_765 = arith.constant 0 : i32
        %dma_wait3A_766 = tpu.memref_slice %arg9[%rem3A_486, %dma_wait3A_765] : memref<3x80xi32, #tpu.memory_space<vmem>> -> memref<1x80xi32, #tpu.memory_space<vmem>>
        %dma_wait3A_767 = tpu.memref_squeeze %dma_wait3A_766 : memref<1x80xi32, #tpu.memory_space<vmem>> -> memref<80xi32, #tpu.memory_space<vmem>>
        %dma_wait3A_768 = arith.constant 0 : i32
        %dma_wait3A_769 = arith.constant 0 : i32
        %dma_wait3A_770 = tpu.memref_slice %arg11[%dma_wait3A_768, %dma_wait3A_769] : memref<10016x144xf32, #tpu.memory_space<vmem_shared>> -> memref<10016x144xf32, #tpu.memory_space<vmem_shared>>
        %dma_wait3A_771 = tpu.memref_slice %arg13[%rem3A_486] : memref<3x!tpu.dma_semaphore, #tpu.memory_space<semaphore_mem>> -> memref<1x!tpu.dma_semaphore, #tpu.memory_space<semaphore_mem>>
        %dma_wait3A_772 = tpu.memref_squeeze %dma_wait3A_771 : memref<1x!tpu.dma_semaphore, #tpu.memory_space<semaphore_mem>> -> memref<!tpu.dma_semaphore, #tpu.memory_space<semaphore_mem>>
        tpu.wait_indirect_dma semaphore(%dma_wait3A_772 : memref<!tpu.dma_semaphore, #tpu.memory_space<semaphore_mem>>) src(%dma_wait3A_764 : memref<80x144xf32, #tpu.memory_space<vmem>>) dst(%dma_wait3A_770 : memref<10016x144xf32, #tpu.memory_space<vmem_shared>>)
      } else {
      }
      %dma_start3A_492 = arith.constant 0 : i32
      %dma_start3A_493 = arith.constant 0 : i32
      %dma_start3A_494 = tpu.memref_slice %arg10[%rem3A_486, %dma_start3A_492, %dma_start3A_493] : memref<3x80x144xf32, #tpu.memory_space<vmem>> -> memref<1x80x144xf32, #tpu.memory_space<vmem>>
      %dma_start3A_495 = tpu.memref_squeeze %dma_start3A_494 : memref<1x80x144xf32, #tpu.memory_space<vmem>> -> memref<80x144xf32, #tpu.memory_space<vmem>>
      %dma_start3A_496 = arith.constant 400 : i32
      %dma_start3A_497 = tpu.memref_slice %arg7[%rem3A_93, %dma_start3A_496] : memref<2x560xi32, #tpu.memory_space<vmem>> -> memref<1x80xi32, #tpu.memory_space<vmem>>
      %dma_start3A_498 = tpu.memref_squeeze %dma_start3A_497 : memref<1x80xi32, #tpu.memory_space<vmem>> -> memref<80xi32, #tpu.memory_space<vmem>>
      %dma_start3A_499 = arith.constant 0 : i32
      %dma_start3A_500 = arith.constant 0 : i32
      %dma_start3A_501 = tpu.memref_slice %arg2[%dma_start3A_499, %dma_start3A_500] : memref<10016x144xf32, #tpu.memory_space<hbm>> -> memref<10016x144xf32, #tpu.memory_space<hbm>>
      %dma_start3A_502 = tpu.memref_slice %arg12[%rem3A_486] : memref<3x!tpu.dma_semaphore, #tpu.memory_space<semaphore_mem>> -> memref<1x!tpu.dma_semaphore, #tpu.memory_space<semaphore_mem>>
      %dma_start3A_503 = tpu.memref_squeeze %dma_start3A_502 : memref<1x!tpu.dma_semaphore, #tpu.memory_space<semaphore_mem>> -> memref<!tpu.dma_semaphore, #tpu.memory_space<semaphore_mem>>
      tpu.enqueue_indirect_dma source(%dma_start3A_501 : memref<10016x144xf32, #tpu.memory_space<hbm>>) target(%dma_start3A_495 : memref<80x144xf32, #tpu.memory_space<vmem>>) offsets(%dma_start3A_498 : memref<80xi32, #tpu.memory_space<vmem>>) semaphore(%dma_start3A_503 : memref<!tpu.dma_semaphore, #tpu.memory_space<semaphore_mem>>)
      %get3A_504 = arith.index_cast %rem3A_93 : i32 to index
      %get3A_505 = arith.constant 320 : index
      %get3A_506 = tpu.vector_load %arg8[%get3A_504, %get3A_505] {strides = array<i32>} : memref<2x560xi32, #tpu.memory_space<vmem>>, vector<1x16xi32>,
      %get3A_507 = vector.shape_cast %get3A_506 : vector<1x16xi32> to vector<16xi32>
      %swap3A_508 = arith.index_cast %rem3A_482 : i32 to index
      %swap3A_509 = arith.constant 0 : index
      %swap3A_510 = tpu.vector_load %arg9[%swap3A_508, %swap3A_509] {strides = array<i32>} : memref<3x80xi32, #tpu.memory_space<vmem>>, vector<1x16xi32>,
      %swap3A_511 = vector.shape_cast %swap3A_510 : vector<1x16xi32> to vector<16xi32>
      %swap3A_512 = vector.shape_cast %get3A_507 : vector<16xi32> to vector<1x16xi32>
      tpu.vector_store %arg9[%swap3A_508, %swap3A_509], %swap3A_512 {strides = array<i32>} : memref<3x80xi32, #tpu.memory_space<vmem>>, vector<1x16xi32>,
      %get3A_513 = arith.index_cast %rem3A_93 : i32 to index
      %get3A_514 = arith.constant 336 : index
      %get3A_515 = tpu.vector_load %arg8[%get3A_513, %get3A_514] {strides = array<i32>} : memref<2x560xi32, #tpu.memory_space<vmem>>, vector<1x16xi32>,
      %get3A_516 = vector.shape_cast %get3A_515 : vector<1x16xi32> to vector<16xi32>
      %swap3A_517 = arith.index_cast %rem3A_482 : i32 to index
      %swap3A_518 = arith.constant 16 : index
      %swap3A_519 = tpu.vector_load %arg9[%swap3A_517, %swap3A_518] {strides = array<i32>} : memref<3x80xi32, #tpu.memory_space<vmem>>, vector<1x16xi32>,
      %swap3A_520 = vector.shape_cast %swap3A_519 : vector<1x16xi32> to vector<16xi32>
      %swap3A_521 = vector.shape_cast %get3A_516 : vector<16xi32> to vector<1x16xi32>
      tpu.vector_store %arg9[%swap3A_517, %swap3A_518], %swap3A_521 {strides = array<i32>} : memref<3x80xi32, #tpu.memory_space<vmem>>, vector<1x16xi32>,
      %get3A_522 = arith.index_cast %rem3A_93 : i32 to index
      %get3A_523 = arith.constant 352 : index
      %get3A_524 = tpu.vector_load %arg8[%get3A_522, %get3A_523] {strides = array<i32>} : memref<2x560xi32, #tpu.memory_space<vmem>>, vector<1x16xi32>,
      %get3A_525 = vector.shape_cast %get3A_524 : vector<1x16xi32> to vector<16xi32>
      %swap3A_526 = arith.index_cast %rem3A_482 : i32 to index
      %swap3A_527 = arith.constant 32 : index
      %swap3A_528 = tpu.vector_load %arg9[%swap3A_526, %swap3A_527] {strides = array<i32>} : memref<3x80xi32, #tpu.memory_space<vmem>>, vector<1x16xi32>,
      %swap3A_529 = vector.shape_cast %swap3A_528 : vector<1x16xi32> to vector<16xi32>
      %swap3A_530 = vector.shape_cast %get3A_525 : vector<16xi32> to vector<1x16xi32>
      tpu.vector_store %arg9[%swap3A_526, %swap3A_527], %swap3A_530 {strides = array<i32>} : memref<3x80xi32, #tpu.memory_space<vmem>>, vector<1x16xi32>,
      %get3A_531 = arith.index_cast %rem3A_93 : i32 to index
      %get3A_532 = arith.constant 368 : index
      %get3A_533 = tpu.vector_load %arg8[%get3A_531, %get3A_532] {strides = array<i32>} : memref<2x560xi32, #tpu.memory_space<vmem>>, vector<1x16xi32>,
      %get3A_534 = vector.shape_cast %get3A_533 : vector<1x16xi32> to vector<16xi32>
      %swap3A_535 = arith.index_cast %rem3A_482 : i32 to index
      %swap3A_536 = arith.constant 48 : index
      %swap3A_537 = tpu.vector_load %arg9[%swap3A_535, %swap3A_536] {strides = array<i32>} : memref<3x80xi32, #tpu.memory_space<vmem>>, vector<1x16xi32>,
      %swap3A_538 = vector.shape_cast %swap3A_537 : vector<1x16xi32> to vector<16xi32>
      %swap3A_539 = vector.shape_cast %get3A_534 : vector<16xi32> to vector<1x16xi32>
      tpu.vector_store %arg9[%swap3A_535, %swap3A_536], %swap3A_539 {strides = array<i32>} : memref<3x80xi32, #tpu.memory_space<vmem>>, vector<1x16xi32>,
      %get3A_540 = arith.index_cast %rem3A_93 : i32 to index
      %get3A_541 = arith.constant 384 : index
      %get3A_542 = tpu.vector_load %arg8[%get3A_540, %get3A_541] {strides = array<i32>} : memref<2x560xi32, #tpu.memory_space<vmem>>, vector<1x16xi32>,
      %get3A_543 = vector.shape_cast %get3A_542 : vector<1x16xi32> to vector<16xi32>
      %swap3A_544 = arith.index_cast %rem3A_482 : i32 to index
      %swap3A_545 = arith.constant 64 : index
      %swap3A_546 = tpu.vector_load %arg9[%swap3A_544, %swap3A_545] {strides = array<i32>} : memref<3x80xi32, #tpu.memory_space<vmem>>, vector<1x16xi32>,
      %swap3A_547 = vector.shape_cast %swap3A_546 : vector<1x16xi32> to vector<16xi32>
      %swap3A_548 = vector.shape_cast %get3A_543 : vector<16xi32> to vector<1x16xi32>
      tpu.vector_store %arg9[%swap3A_544, %swap3A_545], %swap3A_548 {strides = array<i32>} : memref<3x80xi32, #tpu.memory_space<vmem>>, vector<1x16xi32>,
      %dma_wait3A_549 = arith.constant 0 : i32
      %dma_wait3A_550 = arith.constant 0 : i32
      %dma_wait3A_551 = tpu.memref_slice %arg10[%rem3A_482, %dma_wait3A_549, %dma_wait3A_550] : memref<3x80x144xf32, #tpu.memory_space<vmem>> -> memref<1x80x144xf32, #tpu.memory_space<vmem>>
      %dma_wait3A_552 = tpu.memref_squeeze %dma_wait3A_551 : memref<1x80x144xf32, #tpu.memory_space<vmem>> -> memref<80x144xf32, #tpu.memory_space<vmem>>
      %dma_wait3A_553 = arith.constant 320 : i32
      %dma_wait3A_554 = tpu.memref_slice %arg7[%rem3A_93, %dma_wait3A_553] : memref<2x560xi32, #tpu.memory_space<vmem>> -> memref<1x80xi32, #tpu.memory_space<vmem>>
      %dma_wait3A_555 = tpu.memref_squeeze %dma_wait3A_554 : memref<1x80xi32, #tpu.memory_space<vmem>> -> memref<80xi32, #tpu.memory_space<vmem>>
      %dma_wait3A_556 = arith.constant 0 : i32
      %dma_wait3A_557 = arith.constant 0 : i32
      %dma_wait3A_558 = tpu.memref_slice %arg2[%dma_wait3A_556, %dma_wait3A_557] : memref<10016x144xf32, #tpu.memory_space<hbm>> -> memref<10016x144xf32, #tpu.memory_space<hbm>>
      %dma_wait3A_559 = tpu.memref_slice %arg12[%rem3A_482] : memref<3x!tpu.dma_semaphore, #tpu.memory_space<semaphore_mem>> -> memref<1x!tpu.dma_semaphore, #tpu.memory_space<semaphore_mem>>
      %dma_wait3A_560 = tpu.memref_squeeze %dma_wait3A_559 : memref<1x!tpu.dma_semaphore, #tpu.memory_space<semaphore_mem>> -> memref<!tpu.dma_semaphore, #tpu.memory_space<semaphore_mem>>
      tpu.wait_indirect_dma semaphore(%dma_wait3A_560 : memref<!tpu.dma_semaphore, #tpu.memory_space<semaphore_mem>>) src(%dma_wait3A_558 : memref<10016x144xf32, #tpu.memory_space<hbm>>) dst(%dma_wait3A_552 : memref<80x144xf32, #tpu.memory_space<vmem>>)
      %dma_start3A_561 = arith.constant 0 : i32
      %dma_start3A_562 = arith.constant 0 : i32
      %dma_start3A_563 = tpu.memref_slice %arg10[%rem3A_482, %dma_start3A_561, %dma_start3A_562] : memref<3x80x144xf32, #tpu.memory_space<vmem>> -> memref<1x80x144xf32, #tpu.memory_space<vmem>>
      %dma_start3A_564 = tpu.memref_squeeze %dma_start3A_563 : memref<1x80x144xf32, #tpu.memory_space<vmem>> -> memref<80x144xf32, #tpu.memory_space<vmem>>
      %dma_start3A_565 = arith.constant 0 : i32
      %dma_start3A_566 = tpu.memref_slice %arg9[%rem3A_482, %dma_start3A_565] : memref<3x80xi32, #tpu.memory_space<vmem>> -> memref<1x80xi32, #tpu.memory_space<vmem>>
      %dma_start3A_567 = tpu.memref_squeeze %dma_start3A_566 : memref<1x80xi32, #tpu.memory_space<vmem>> -> memref<80xi32, #tpu.memory_space<vmem>>
      %dma_start3A_568 = arith.constant 0 : i32
      %dma_start3A_569 = arith.constant 0 : i32
      %dma_start3A_570 = tpu.memref_slice %arg11[%dma_start3A_568, %dma_start3A_569] : memref<10016x144xf32, #tpu.memory_space<vmem_shared>> -> memref<10016x144xf32, #tpu.memory_space<vmem_shared>>
      %dma_start3A_571 = tpu.memref_slice %arg13[%rem3A_482] : memref<3x!tpu.dma_semaphore, #tpu.memory_space<semaphore_mem>> -> memref<1x!tpu.dma_semaphore, #tpu.memory_space<semaphore_mem>>
      %dma_start3A_572 = tpu.memref_squeeze %dma_start3A_571 : memref<1x!tpu.dma_semaphore, #tpu.memory_space<semaphore_mem>> -> memref<!tpu.dma_semaphore, #tpu.memory_space<semaphore_mem>>
      tpu.enqueue_indirect_dma source(%dma_start3A_564 : memref<80x144xf32, #tpu.memory_space<vmem>>) target(%dma_start3A_570 : memref<10016x144xf32, #tpu.memory_space<vmem_shared>>) offsets(%dma_start3A_567 : memref<80xi32, #tpu.memory_space<vmem>>) semaphore(%dma_start3A_572 : memref<!tpu.dma_semaphore, #tpu.memory_space<semaphore_mem>>) {add = true}
      %mul3A_573 = arith.constant 7 : i32
      %mul3A_574 = arith.muli %scan3A_92, %mul3A_573 : i32
      %add3A_575 = arith.constant 5 : i32
      %add3A_576 = arith.addi %mul3A_574, %add3A_575 : i32
      %rem3A_577 = arith.constant 3 : i32
      %rem3A_578 = arith.remsi %add3A_576, %rem3A_577 : i32
      %add3A_579 = arith.constant 1 : i32
      %add3A_580 = arith.addi %add3A_576, %add3A_579 : i32
      %rem3A_581 = arith.constant 3 : i32
      %rem3A_582 = arith.remsi %add3A_580, %rem3A_581 : i32
      %ge3A_583 = arith.constant 2 : i32
      %ge3A_584 = arith.cmpi sge, %add3A_576, %ge3A_583 : i32
      %convert_element_type3A_585 = arith.extui %ge3A_584 : i1 to i32
      %cond3A_586 = arith.constant 0 : i32
      %cond3A_587 = arith.cmpi ne, %convert_element_type3A_585, %cond3A_586 : i32
      scf.if %cond3A_587 {
        %dma_wait3A_761 = arith.constant 0 : i32
        %dma_wait3A_762 = arith.constant 0 : i32
        %dma_wait3A_763 = tpu.memref_slice %arg10[%rem3A_582, %dma_wait3A_761, %dma_wait3A_762] : memref<3x80x144xf32, #tpu.memory_space<vmem>> -> memref<1x80x144xf32, #tpu.memory_space<vmem>>
        %dma_wait3A_764 = tpu.memref_squeeze %dma_wait3A_763 : memref<1x80x144xf32, #tpu.memory_space<vmem>> -> memref<80x144xf32, #tpu.memory_space<vmem>>
        %dma_wait3A_765 = arith.constant 0 : i32
        %dma_wait3A_766 = tpu.memref_slice %arg9[%rem3A_582, %dma_wait3A_765] : memref<3x80xi32, #tpu.memory_space<vmem>> -> memref<1x80xi32, #tpu.memory_space<vmem>>
        %dma_wait3A_767 = tpu.memref_squeeze %dma_wait3A_766 : memref<1x80xi32, #tpu.memory_space<vmem>> -> memref<80xi32, #tpu.memory_space<vmem>>
        %dma_wait3A_768 = arith.constant 0 : i32
        %dma_wait3A_769 = arith.constant 0 : i32
        %dma_wait3A_770 = tpu.memref_slice %arg11[%dma_wait3A_768, %dma_wait3A_769] : memref<10016x144xf32, #tpu.memory_space<vmem_shared>> -> memref<10016x144xf32, #tpu.memory_space<vmem_shared>>
        %dma_wait3A_771 = tpu.memref_slice %arg13[%rem3A_582] : memref<3x!tpu.dma_semaphore, #tpu.memory_space<semaphore_mem>> -> memref<1x!tpu.dma_semaphore, #tpu.memory_space<semaphore_mem>>
        %dma_wait3A_772 = tpu.memref_squeeze %dma_wait3A_771 : memref<1x!tpu.dma_semaphore, #tpu.memory_space<semaphore_mem>> -> memref<!tpu.dma_semaphore, #tpu.memory_space<semaphore_mem>>
        tpu.wait_indirect_dma semaphore(%dma_wait3A_772 : memref<!tpu.dma_semaphore, #tpu.memory_space<semaphore_mem>>) src(%dma_wait3A_764 : memref<80x144xf32, #tpu.memory_space<vmem>>) dst(%dma_wait3A_770 : memref<10016x144xf32, #tpu.memory_space<vmem_shared>>)
      } else {
      }
      %dma_start3A_588 = arith.constant 0 : i32
      %dma_start3A_589 = arith.constant 0 : i32
      %dma_start3A_590 = tpu.memref_slice %arg10[%rem3A_582, %dma_start3A_588, %dma_start3A_589] : memref<3x80x144xf32, #tpu.memory_space<vmem>> -> memref<1x80x144xf32, #tpu.memory_space<vmem>>
      %dma_start3A_591 = tpu.memref_squeeze %dma_start3A_590 : memref<1x80x144xf32, #tpu.memory_space<vmem>> -> memref<80x144xf32, #tpu.memory_space<vmem>>
      %dma_start3A_592 = arith.constant 480 : i32
      %dma_start3A_593 = tpu.memref_slice %arg7[%rem3A_93, %dma_start3A_592] : memref<2x560xi32, #tpu.memory_space<vmem>> -> memref<1x80xi32, #tpu.memory_space<vmem>>
      %dma_start3A_594 = tpu.memref_squeeze %dma_start3A_593 : memref<1x80xi32, #tpu.memory_space<vmem>> -> memref<80xi32, #tpu.memory_space<vmem>>
      %dma_start3A_595 = arith.constant 0 : i32
      %dma_start3A_596 = arith.constant 0 : i32
      %dma_start3A_597 = tpu.memref_slice %arg2[%dma_start3A_595, %dma_start3A_596] : memref<10016x144xf32, #tpu.memory_space<hbm>> -> memref<10016x144xf32, #tpu.memory_space<hbm>>
      %dma_start3A_598 = tpu.memref_slice %arg12[%rem3A_582] : memref<3x!tpu.dma_semaphore, #tpu.memory_space<semaphore_mem>> -> memref<1x!tpu.dma_semaphore, #tpu.memory_space<semaphore_mem>>
      %dma_start3A_599 = tpu.memref_squeeze %dma_start3A_598 : memref<1x!tpu.dma_semaphore, #tpu.memory_space<semaphore_mem>> -> memref<!tpu.dma_semaphore, #tpu.memory_space<semaphore_mem>>
      tpu.enqueue_indirect_dma source(%dma_start3A_597 : memref<10016x144xf32, #tpu.memory_space<hbm>>) target(%dma_start3A_591 : memref<80x144xf32, #tpu.memory_space<vmem>>) offsets(%dma_start3A_594 : memref<80xi32, #tpu.memory_space<vmem>>) semaphore(%dma_start3A_599 : memref<!tpu.dma_semaphore, #tpu.memory_space<semaphore_mem>>)
      %get3A_600 = arith.index_cast %rem3A_93 : i32 to index
      %get3A_601 = arith.constant 400 : index
      %get3A_602 = tpu.vector_load %arg8[%get3A_600, %get3A_601] {strides = array<i32>} : memref<2x560xi32, #tpu.memory_space<vmem>>, vector<1x16xi32>,
      %get3A_603 = vector.shape_cast %get3A_602 : vector<1x16xi32> to vector<16xi32>
      %swap3A_604 = arith.index_cast %rem3A_578 : i32 to index
      %swap3A_605 = arith.constant 0 : index
      %swap3A_606 = tpu.vector_load %arg9[%swap3A_604, %swap3A_605] {strides = array<i32>} : memref<3x80xi32, #tpu.memory_space<vmem>>, vector<1x16xi32>,
      %swap3A_607 = vector.shape_cast %swap3A_606 : vector<1x16xi32> to vector<16xi32>
      %swap3A_608 = vector.shape_cast %get3A_603 : vector<16xi32> to vector<1x16xi32>
      tpu.vector_store %arg9[%swap3A_604, %swap3A_605], %swap3A_608 {strides = array<i32>} : memref<3x80xi32, #tpu.memory_space<vmem>>, vector<1x16xi32>,
      %get3A_609 = arith.index_cast %rem3A_93 : i32 to index
      %get3A_610 = arith.constant 416 : index
      %get3A_611 = tpu.vector_load %arg8[%get3A_609, %get3A_610] {strides = array<i32>} : memref<2x560xi32, #tpu.memory_space<vmem>>, vector<1x16xi32>,
      %get3A_612 = vector.shape_cast %get3A_611 : vector<1x16xi32> to vector<16xi32>
      %swap3A_613 = arith.index_cast %rem3A_578 : i32 to index
      %swap3A_614 = arith.constant 16 : index
      %swap3A_615 = tpu.vector_load %arg9[%swap3A_613, %swap3A_614] {strides = array<i32>} : memref<3x80xi32, #tpu.memory_space<vmem>>, vector<1x16xi32>,
      %swap3A_616 = vector.shape_cast %swap3A_615 : vector<1x16xi32> to vector<16xi32>
      %swap3A_617 = vector.shape_cast %get3A_612 : vector<16xi32> to vector<1x16xi32>
      tpu.vector_store %arg9[%swap3A_613, %swap3A_614], %swap3A_617 {strides = array<i32>} : memref<3x80xi32, #tpu.memory_space<vmem>>, vector<1x16xi32>,
      %get3A_618 = arith.index_cast %rem3A_93 : i32 to index
      %get3A_619 = arith.constant 432 : index
      %get3A_620 = tpu.vector_load %arg8[%get3A_618, %get3A_619] {strides = array<i32>} : memref<2x560xi32, #tpu.memory_space<vmem>>, vector<1x16xi32>,
      %get3A_621 = vector.shape_cast %get3A_620 : vector<1x16xi32> to vector<16xi32>
      %swap3A_622 = arith.index_cast %rem3A_578 : i32 to index
      %swap3A_623 = arith.constant 32 : index
      %swap3A_624 = tpu.vector_load %arg9[%swap3A_622, %swap3A_623] {strides = array<i32>} : memref<3x80xi32, #tpu.memory_space<vmem>>, vector<1x16xi32>,
      %swap3A_625 = vector.shape_cast %swap3A_624 : vector<1x16xi32> to vector<16xi32>
      %swap3A_626 = vector.shape_cast %get3A_621 : vector<16xi32> to vector<1x16xi32>
      tpu.vector_store %arg9[%swap3A_622, %swap3A_623], %swap3A_626 {strides = array<i32>} : memref<3x80xi32, #tpu.memory_space<vmem>>, vector<1x16xi32>,
      %get3A_627 = arith.index_cast %rem3A_93 : i32 to index
      %get3A_628 = arith.constant 448 : index
      %get3A_629 = tpu.vector_load %arg8[%get3A_627, %get3A_628] {strides = array<i32>} : memref<2x560xi32, #tpu.memory_space<vmem>>, vector<1x16xi32>,
      %get3A_630 = vector.shape_cast %get3A_629 : vector<1x16xi32> to vector<16xi32>
      %swap3A_631 = arith.index_cast %rem3A_578 : i32 to index
      %swap3A_632 = arith.constant 48 : index
      %swap3A_633 = tpu.vector_load %arg9[%swap3A_631, %swap3A_632] {strides = array<i32>} : memref<3x80xi32, #tpu.memory_space<vmem>>, vector<1x16xi32>,
      %swap3A_634 = vector.shape_cast %swap3A_633 : vector<1x16xi32> to vector<16xi32>
      %swap3A_635 = vector.shape_cast %get3A_630 : vector<16xi32> to vector<1x16xi32>
      tpu.vector_store %arg9[%swap3A_631, %swap3A_632], %swap3A_635 {strides = array<i32>} : memref<3x80xi32, #tpu.memory_space<vmem>>, vector<1x16xi32>,
      %get3A_636 = arith.index_cast %rem3A_93 : i32 to index
      %get3A_637 = arith.constant 464 : index
      %get3A_638 = tpu.vector_load %arg8[%get3A_636, %get3A_637] {strides = array<i32>} : memref<2x560xi32, #tpu.memory_space<vmem>>, vector<1x16xi32>,
      %get3A_639 = vector.shape_cast %get3A_638 : vector<1x16xi32> to vector<16xi32>
      %swap3A_640 = arith.index_cast %rem3A_578 : i32 to index
      %swap3A_641 = arith.constant 64 : index
      %swap3A_642 = tpu.vector_load %arg9[%swap3A_640, %swap3A_641] {strides = array<i32>} : memref<3x80xi32, #tpu.memory_space<vmem>>, vector<1x16xi32>,
      %swap3A_643 = vector.shape_cast %swap3A_642 : vector<1x16xi32> to vector<16xi32>
      %swap3A_644 = vector.shape_cast %get3A_639 : vector<16xi32> to vector<1x16xi32>
      tpu.vector_store %arg9[%swap3A_640, %swap3A_641], %swap3A_644 {strides = array<i32>} : memref<3x80xi32, #tpu.memory_space<vmem>>, vector<1x16xi32>,
      %dma_wait3A_645 = arith.constant 0 : i32
      %dma_wait3A_646 = arith.constant 0 : i32
      %dma_wait3A_647 = tpu.memref_slice %arg10[%rem3A_578, %dma_wait3A_645, %dma_wait3A_646] : memref<3x80x144xf32, #tpu.memory_space<vmem>> -> memref<1x80x144xf32, #tpu.memory_space<vmem>>
      %dma_wait3A_648 = tpu.memref_squeeze %dma_wait3A_647 : memref<1x80x144xf32, #tpu.memory_space<vmem>> -> memref<80x144xf32, #tpu.memory_space<vmem>>
      %dma_wait3A_649 = arith.constant 400 : i32
      %dma_wait3A_650 = tpu.memref_slice %arg7[%rem3A_93, %dma_wait3A_649] : memref<2x560xi32, #tpu.memory_space<vmem>> -> memref<1x80xi32, #tpu.memory_space<vmem>>
      %dma_wait3A_651 = tpu.memref_squeeze %dma_wait3A_650 : memref<1x80xi32, #tpu.memory_space<vmem>> -> memref<80xi32, #tpu.memory_space<vmem>>
      %dma_wait3A_652 = arith.constant 0 : i32
      %dma_wait3A_653 = arith.constant 0 : i32
      %dma_wait3A_654 = tpu.memref_slice %arg2[%dma_wait3A_652, %dma_wait3A_653] : memref<10016x144xf32, #tpu.memory_space<hbm>> -> memref<10016x144xf32, #tpu.memory_space<hbm>>
      %dma_wait3A_655 = tpu.memref_slice %arg12[%rem3A_578] : memref<3x!tpu.dma_semaphore, #tpu.memory_space<semaphore_mem>> -> memref<1x!tpu.dma_semaphore, #tpu.memory_space<semaphore_mem>>
      %dma_wait3A_656 = tpu.memref_squeeze %dma_wait3A_655 : memref<1x!tpu.dma_semaphore, #tpu.memory_space<semaphore_mem>> -> memref<!tpu.dma_semaphore, #tpu.memory_space<semaphore_mem>>
      tpu.wait_indirect_dma semaphore(%dma_wait3A_656 : memref<!tpu.dma_semaphore, #tpu.memory_space<semaphore_mem>>) src(%dma_wait3A_654 : memref<10016x144xf32, #tpu.memory_space<hbm>>) dst(%dma_wait3A_648 : memref<80x144xf32, #tpu.memory_space<vmem>>)
      %dma_start3A_657 = arith.constant 0 : i32
      %dma_start3A_658 = arith.constant 0 : i32
      %dma_start3A_659 = tpu.memref_slice %arg10[%rem3A_578, %dma_start3A_657, %dma_start3A_658] : memref<3x80x144xf32, #tpu.memory_space<vmem>> -> memref<1x80x144xf32, #tpu.memory_space<vmem>>
      %dma_start3A_660 = tpu.memref_squeeze %dma_start3A_659 : memref<1x80x144xf32, #tpu.memory_space<vmem>> -> memref<80x144xf32, #tpu.memory_space<vmem>>
      %dma_start3A_661 = arith.constant 0 : i32
      %dma_start3A_662 = tpu.memref_slice %arg9[%rem3A_578, %dma_start3A_661] : memref<3x80xi32, #tpu.memory_space<vmem>> -> memref<1x80xi32, #tpu.memory_space<vmem>>
      %dma_start3A_663 = tpu.memref_squeeze %dma_start3A_662 : memref<1x80xi32, #tpu.memory_space<vmem>> -> memref<80xi32, #tpu.memory_space<vmem>>
      %dma_start3A_664 = arith.constant 0 : i32
      %dma_start3A_665 = arith.constant 0 : i32
      %dma_start3A_666 = tpu.memref_slice %arg11[%dma_start3A_664, %dma_start3A_665] : memref<10016x144xf32, #tpu.memory_space<vmem_shared>> -> memref<10016x144xf32, #tpu.memory_space<vmem_shared>>
      %dma_start3A_667 = tpu.memref_slice %arg13[%rem3A_578] : memref<3x!tpu.dma_semaphore, #tpu.memory_space<semaphore_mem>> -> memref<1x!tpu.dma_semaphore, #tpu.memory_space<semaphore_mem>>
      %dma_start3A_668 = tpu.memref_squeeze %dma_start3A_667 : memref<1x!tpu.dma_semaphore, #tpu.memory_space<semaphore_mem>> -> memref<!tpu.dma_semaphore, #tpu.memory_space<semaphore_mem>>
      tpu.enqueue_indirect_dma source(%dma_start3A_660 : memref<80x144xf32, #tpu.memory_space<vmem>>) target(%dma_start3A_666 : memref<10016x144xf32, #tpu.memory_space<vmem_shared>>) offsets(%dma_start3A_663 : memref<80xi32, #tpu.memory_space<vmem>>) semaphore(%dma_start3A_668 : memref<!tpu.dma_semaphore, #tpu.memory_space<semaphore_mem>>) {add = true}
      %mul3A_669 = arith.constant 7 : i32
      %mul3A_670 = arith.muli %scan3A_92, %mul3A_669 : i32
      %add3A_671 = arith.constant 6 : i32
      %add3A_672 = arith.addi %mul3A_670, %add3A_671 : i32
      %rem3A_673 = arith.constant 3 : i32
      %rem3A_674 = arith.remsi %add3A_672, %rem3A_673 : i32
      %add3A_675 = arith.constant 1 : i32
      %add3A_676 = arith.addi %add3A_672, %add3A_675 : i32
      %rem3A_677 = arith.constant 3 : i32
      %rem3A_678 = arith.remsi %add3A_676, %rem3A_677 : i32
      %add3A_679 = arith.constant 1 : i32
      %add3A_680 = arith.addi %scan3A_92, %add3A_679 : i32
      %lt3A = arith.constant 18 : i32
      %lt3A_681 = arith.cmpi slt, %add3A_680, %lt3A : i32
      %convert_element_type3A_682 = arith.extui %lt3A_681 : i1 to i32
      %cond3A_683 = arith.constant 0 : i32
      %cond3A_684 = arith.cmpi ne, %convert_element_type3A_682, %cond3A_683 : i32
      scf.if %cond3A_684 {
        %dma_wait3A_761 = arith.constant 0 : i32
        %dma_wait3A_762 = arith.constant 0 : i32
        %dma_wait3A_763 = tpu.memref_slice %arg10[%rem3A_678, %dma_wait3A_761, %dma_wait3A_762] : memref<3x80x144xf32, #tpu.memory_space<vmem>> -> memref<1x80x144xf32, #tpu.memory_space<vmem>>
        %dma_wait3A_764 = tpu.memref_squeeze %dma_wait3A_763 : memref<1x80x144xf32, #tpu.memory_space<vmem>> -> memref<80x144xf32, #tpu.memory_space<vmem>>
        %dma_wait3A_765 = arith.constant 0 : i32
        %dma_wait3A_766 = tpu.memref_slice %arg9[%rem3A_678, %dma_wait3A_765] : memref<3x80xi32, #tpu.memory_space<vmem>> -> memref<1x80xi32, #tpu.memory_space<vmem>>
        %dma_wait3A_767 = tpu.memref_squeeze %dma_wait3A_766 : memref<1x80xi32, #tpu.memory_space<vmem>> -> memref<80xi32, #tpu.memory_space<vmem>>
        %dma_wait3A_768 = arith.constant 0 : i32
        %dma_wait3A_769 = arith.constant 0 : i32
        %dma_wait3A_770 = tpu.memref_slice %arg11[%dma_wait3A_768, %dma_wait3A_769] : memref<10016x144xf32, #tpu.memory_space<vmem_shared>> -> memref<10016x144xf32, #tpu.memory_space<vmem_shared>>
        %dma_wait3A_771 = tpu.memref_slice %arg13[%rem3A_678] : memref<3x!tpu.dma_semaphore, #tpu.memory_space<semaphore_mem>> -> memref<1x!tpu.dma_semaphore, #tpu.memory_space<semaphore_mem>>
        %dma_wait3A_772 = tpu.memref_squeeze %dma_wait3A_771 : memref<1x!tpu.dma_semaphore, #tpu.memory_space<semaphore_mem>> -> memref<!tpu.dma_semaphore, #tpu.memory_space<semaphore_mem>>
        tpu.wait_indirect_dma semaphore(%dma_wait3A_772 : memref<!tpu.dma_semaphore, #tpu.memory_space<semaphore_mem>>) src(%dma_wait3A_764 : memref<80x144xf32, #tpu.memory_space<vmem>>) dst(%dma_wait3A_770 : memref<10016x144xf32, #tpu.memory_space<vmem_shared>>)
        %dma_wait3A_773 = arith.constant 0 : i32
        %dma_wait3A_774 = tpu.memref_slice %arg7[%rem3A_97, %dma_wait3A_773] : memref<2x560xi32, #tpu.memory_space<vmem>> -> memref<1x560xi32, #tpu.memory_space<vmem>>
        %dma_wait3A_775 = tpu.memref_squeeze %dma_wait3A_774 : memref<1x560xi32, #tpu.memory_space<vmem>> -> memref<560xi32, #tpu.memory_space<vmem>>
        %dma_wait3A_776 = tpu.memref_slice %arg3[%mul3A_4] : memref<322560xi32, #tpu.memory_space<hbm>> -> memref<560xi32, #tpu.memory_space<hbm>>
        %dma_wait3A_777 = arith.constant 0 : i32
        %dma_wait3A_778 = tpu.memref_slice %arg7[%rem3A_97, %dma_wait3A_777] : memref<2x560xi32, #tpu.memory_space<vmem>> -> memref<1x560xi32, #tpu.memory_space<vmem>>
        %dma_wait3A_779 = tpu.memref_squeeze %dma_wait3A_778 : memref<1x560xi32, #tpu.memory_space<vmem>> -> memref<560xi32, #tpu.memory_space<vmem>>
        %dma_wait3A_780 = tpu.memref_slice %arg3[%mul3A_4] : memref<322560xi32, #tpu.memory_space<hbm>> -> memref<560xi32, #tpu.memory_space<hbm>>
        tpu.wait_dma2 semaphore(%arg14 : memref<!tpu.dma_semaphore, #tpu.memory_space<semaphore_mem>>) src(%dma_wait3A_780 : memref<560xi32, #tpu.memory_space<hbm>>) dst(%dma_wait3A_779 : memref<560xi32, #tpu.memory_space<vmem>>)
        %dma_wait3A_781 = arith.constant 0 : i32
        %dma_wait3A_782 = tpu.memref_slice %arg8[%rem3A_97, %dma_wait3A_781] : memref<2x560xi32, #tpu.memory_space<vmem>> -> memref<1x560xi32, #tpu.memory_space<vmem>>
        %dma_wait3A_783 = tpu.memref_squeeze %dma_wait3A_782 : memref<1x560xi32, #tpu.memory_space<vmem>> -> memref<560xi32, #tpu.memory_space<vmem>>
        %dma_wait3A_784 = tpu.memref_slice %arg4[%mul3A_4] : memref<322560xi32, #tpu.memory_space<hbm>> -> memref<560xi32, #tpu.memory_space<hbm>>
        %dma_wait3A_785 = arith.constant 0 : i32
        %dma_wait3A_786 = tpu.memref_slice %arg8[%rem3A_97, %dma_wait3A_785] : memref<2x560xi32, #tpu.memory_space<vmem>> -> memref<1x560xi32, #tpu.memory_space<vmem>>
        %dma_wait3A_787 = tpu.memref_squeeze %dma_wait3A_786 : memref<1x560xi32, #tpu.memory_space<vmem>> -> memref<560xi32, #tpu.memory_space<vmem>>
        %dma_wait3A_788 = tpu.memref_slice %arg4[%mul3A_4] : memref<322560xi32, #tpu.memory_space<hbm>> -> memref<560xi32, #tpu.memory_space<hbm>>
        tpu.wait_dma2 semaphore(%arg14 : memref<!tpu.dma_semaphore, #tpu.memory_space<semaphore_mem>>) src(%dma_wait3A_788 : memref<560xi32, #tpu.memory_space<hbm>>) dst(%dma_wait3A_787 : memref<560xi32, #tpu.memory_space<vmem>>)
        %dma_start3A_789 = arith.constant 0 : i32
        %dma_start3A_790 = arith.constant 0 : i32
        %dma_start3A_791 = tpu.memref_slice %arg10[%rem3A_678, %dma_start3A_789, %dma_start3A_790] : memref<3x80x144xf32, #tpu.memory_space<vmem>> -> memref<1x80x144xf32, #tpu.memory_space<vmem>>
        %dma_start3A_792 = tpu.memref_squeeze %dma_start3A_791 : memref<1x80x144xf32, #tpu.memory_space<vmem>> -> memref<80x144xf32, #tpu.memory_space<vmem>>
        %dma_start3A_793 = arith.constant 0 : i32
        %dma_start3A_794 = tpu.memref_slice %arg7[%rem3A_97, %dma_start3A_793] : memref<2x560xi32, #tpu.memory_space<vmem>> -> memref<1x80xi32, #tpu.memory_space<vmem>>
        %dma_start3A_795 = tpu.memref_squeeze %dma_start3A_794 : memref<1x80xi32, #tpu.memory_space<vmem>> -> memref<80xi32, #tpu.memory_space<vmem>>
        %dma_start3A_796 = arith.constant 0 : i32
        %dma_start3A_797 = arith.constant 0 : i32
        %dma_start3A_798 = tpu.memref_slice %arg2[%dma_start3A_796, %dma_start3A_797] : memref<10016x144xf32, #tpu.memory_space<hbm>> -> memref<10016x144xf32, #tpu.memory_space<hbm>>
        %dma_start3A_799 = tpu.memref_slice %arg12[%rem3A_678] : memref<3x!tpu.dma_semaphore, #tpu.memory_space<semaphore_mem>> -> memref<1x!tpu.dma_semaphore, #tpu.memory_space<semaphore_mem>>
        %dma_start3A_800 = tpu.memref_squeeze %dma_start3A_799 : memref<1x!tpu.dma_semaphore, #tpu.memory_space<semaphore_mem>> -> memref<!tpu.dma_semaphore, #tpu.memory_space<semaphore_mem>>
        tpu.enqueue_indirect_dma source(%dma_start3A_798 : memref<10016x144xf32, #tpu.memory_space<hbm>>) target(%dma_start3A_792 : memref<80x144xf32, #tpu.memory_space<vmem>>) offsets(%dma_start3A_795 : memref<80xi32, #tpu.memory_space<vmem>>) semaphore(%dma_start3A_800 : memref<!tpu.dma_semaphore, #tpu.memory_space<semaphore_mem>>)
      } else {
      }
      %get3A_685 = arith.index_cast %rem3A_93 : i32 to index
      %get3A_686 = arith.constant 480 : index
      %get3A_687 = tpu.vector_load %arg8[%get3A_685, %get3A_686] {strides = array<i32>} : memref<2x560xi32, #tpu.memory_space<vmem>>, vector<1x16xi32>,
      %get3A_688 = vector.shape_cast %get3A_687 : vector<1x16xi32> to vector<16xi32>
      %swap3A_689 = arith.index_cast %rem3A_674 : i32 to index
      %swap3A_690 = arith.constant 0 : index
      %swap3A_691 = tpu.vector_load %arg9[%swap3A_689, %swap3A_690] {strides = array<i32>} : memref<3x80xi32, #tpu.memory_space<vmem>>, vector<1x16xi32>,
      %swap3A_692 = vector.shape_cast %swap3A_691 : vector<1x16xi32> to vector<16xi32>
      %swap3A_693 = vector.shape_cast %get3A_688 : vector<16xi32> to vector<1x16xi32>
      tpu.vector_store %arg9[%swap3A_689, %swap3A_690], %swap3A_693 {strides = array<i32>} : memref<3x80xi32, #tpu.memory_space<vmem>>, vector<1x16xi32>,
      %get3A_694 = arith.index_cast %rem3A_93 : i32 to index
      %get3A_695 = arith.constant 496 : index
      %get3A_696 = tpu.vector_load %arg8[%get3A_694, %get3A_695] {strides = array<i32>} : memref<2x560xi32, #tpu.memory_space<vmem>>, vector<1x16xi32>,
      %get3A_697 = vector.shape_cast %get3A_696 : vector<1x16xi32> to vector<16xi32>
      %swap3A_698 = arith.index_cast %rem3A_674 : i32 to index
      %swap3A_699 = arith.constant 16 : index
      %swap3A_700 = tpu.vector_load %arg9[%swap3A_698, %swap3A_699] {strides = array<i32>} : memref<3x80xi32, #tpu.memory_space<vmem>>, vector<1x16xi32>,
      %swap3A_701 = vector.shape_cast %swap3A_700 : vector<1x16xi32> to vector<16xi32>
      %swap3A_702 = vector.shape_cast %get3A_697 : vector<16xi32> to vector<1x16xi32>
      tpu.vector_store %arg9[%swap3A_698, %swap3A_699], %swap3A_702 {strides = array<i32>} : memref<3x80xi32, #tpu.memory_space<vmem>>, vector<1x16xi32>,
      %get3A_703 = arith.index_cast %rem3A_93 : i32 to index
      %get3A_704 = arith.constant 512 : index
      %get3A_705 = tpu.vector_load %arg8[%get3A_703, %get3A_704] {strides = array<i32>} : memref<2x560xi32, #tpu.memory_space<vmem>>, vector<1x16xi32>,
      %get3A_706 = vector.shape_cast %get3A_705 : vector<1x16xi32> to vector<16xi32>
      %swap3A_707 = arith.index_cast %rem3A_674 : i32 to index
      %swap3A_708 = arith.constant 32 : index
      %swap3A_709 = tpu.vector_load %arg9[%swap3A_707, %swap3A_708] {strides = array<i32>} : memref<3x80xi32, #tpu.memory_space<vmem>>, vector<1x16xi32>,
      %swap3A_710 = vector.shape_cast %swap3A_709 : vector<1x16xi32> to vector<16xi32>
      %swap3A_711 = vector.shape_cast %get3A_706 : vector<16xi32> to vector<1x16xi32>
      tpu.vector_store %arg9[%swap3A_707, %swap3A_708], %swap3A_711 {strides = array<i32>} : memref<3x80xi32, #tpu.memory_space<vmem>>, vector<1x16xi32>,
      %get3A_712 = arith.index_cast %rem3A_93 : i32 to index
      %get3A_713 = arith.constant 528 : index
      %get3A_714 = tpu.vector_load %arg8[%get3A_712, %get3A_713] {strides = array<i32>} : memref<2x560xi32, #tpu.memory_space<vmem>>, vector<1x16xi32>,
      %get3A_715 = vector.shape_cast %get3A_714 : vector<1x16xi32> to vector<16xi32>
      %swap3A_716 = arith.index_cast %rem3A_674 : i32 to index
      %swap3A_717 = arith.constant 48 : index
      %swap3A_718 = tpu.vector_load %arg9[%swap3A_716, %swap3A_717] {strides = array<i32>} : memref<3x80xi32, #tpu.memory_space<vmem>>, vector<1x16xi32>,
      %swap3A_719 = vector.shape_cast %swap3A_718 : vector<1x16xi32> to vector<16xi32>
      %swap3A_720 = vector.shape_cast %get3A_715 : vector<16xi32> to vector<1x16xi32>
      tpu.vector_store %arg9[%swap3A_716, %swap3A_717], %swap3A_720 {strides = array<i32>} : memref<3x80xi32, #tpu.memory_space<vmem>>, vector<1x16xi32>,
      %get3A_721 = arith.index_cast %rem3A_93 : i32 to index
      %get3A_722 = arith.constant 544 : index
      %get3A_723 = tpu.vector_load %arg8[%get3A_721, %get3A_722] {strides = array<i32>} : memref<2x560xi32, #tpu.memory_space<vmem>>, vector<1x16xi32>,
      %get3A_724 = vector.shape_cast %get3A_723 : vector<1x16xi32> to vector<16xi32>
      %swap3A_725 = arith.index_cast %rem3A_674 : i32 to index
      %swap3A_726 = arith.constant 64 : index
      %swap3A_727 = tpu.vector_load %arg9[%swap3A_725, %swap3A_726] {strides = array<i32>} : memref<3x80xi32, #tpu.memory_space<vmem>>, vector<1x16xi32>,
      %swap3A_728 = vector.shape_cast %swap3A_727 : vector<1x16xi32> to vector<16xi32>
      %swap3A_729 = vector.shape_cast %get3A_724 : vector<16xi32> to vector<1x16xi32>
      tpu.vector_store %arg9[%swap3A_725, %swap3A_726], %swap3A_729 {strides = array<i32>} : memref<3x80xi32, #tpu.memory_space<vmem>>, vector<1x16xi32>,
      %dma_wait3A_730 = arith.constant 0 : i32
      %dma_wait3A_731 = arith.constant 0 : i32
      %dma_wait3A_732 = tpu.memref_slice %arg10[%rem3A_674, %dma_wait3A_730, %dma_wait3A_731] : memref<3x80x144xf32, #tpu.memory_space<vmem>> -> memref<1x80x144xf32, #tpu.memory_space<vmem>>
      %dma_wait3A_733 = tpu.memref_squeeze %dma_wait3A_732 : memref<1x80x144xf32, #tpu.memory_space<vmem>> -> memref<80x144xf32, #tpu.memory_space<vmem>>
      %dma_wait3A_734 = arith.constant 480 : i32
      %dma_wait3A_735 = tpu.memref_slice %arg7[%rem3A_93, %dma_wait3A_734] : memref<2x560xi32, #tpu.memory_space<vmem>> -> memref<1x80xi32, #tpu.memory_space<vmem>>
      %dma_wait3A_736 = tpu.memref_squeeze %dma_wait3A_735 : memref<1x80xi32, #tpu.memory_space<vmem>> -> memref<80xi32, #tpu.memory_space<vmem>>
      %dma_wait3A_737 = arith.constant 0 : i32
      %dma_wait3A_738 = arith.constant 0 : i32
      %dma_wait3A_739 = tpu.memref_slice %arg2[%dma_wait3A_737, %dma_wait3A_738] : memref<10016x144xf32, #tpu.memory_space<hbm>> -> memref<10016x144xf32, #tpu.memory_space<hbm>>
      %dma_wait3A_740 = tpu.memref_slice %arg12[%rem3A_674] : memref<3x!tpu.dma_semaphore, #tpu.memory_space<semaphore_mem>> -> memref<1x!tpu.dma_semaphore, #tpu.memory_space<semaphore_mem>>
      %dma_wait3A_741 = tpu.memref_squeeze %dma_wait3A_740 : memref<1x!tpu.dma_semaphore, #tpu.memory_space<semaphore_mem>> -> memref<!tpu.dma_semaphore, #tpu.memory_space<semaphore_mem>>
      tpu.wait_indirect_dma semaphore(%dma_wait3A_741 : memref<!tpu.dma_semaphore, #tpu.memory_space<semaphore_mem>>) src(%dma_wait3A_739 : memref<10016x144xf32, #tpu.memory_space<hbm>>) dst(%dma_wait3A_733 : memref<80x144xf32, #tpu.memory_space<vmem>>)
      %dma_start3A_742 = arith.constant 0 : i32
      %dma_start3A_743 = arith.constant 0 : i32
      %dma_start3A_744 = tpu.memref_slice %arg10[%rem3A_674, %dma_start3A_742, %dma_start3A_743] : memref<3x80x144xf32, #tpu.memory_space<vmem>> -> memref<1x80x144xf32, #tpu.memory_space<vmem>>
      %dma_start3A_745 = tpu.memref_squeeze %dma_start3A_744 : memref<1x80x144xf32, #tpu.memory_space<vmem>> -> memref<80x144xf32, #tpu.memory_space<vmem>>
      %dma_start3A_746 = arith.constant 0 : i32
      %dma_start3A_747 = tpu.memref_slice %arg9[%rem3A_674, %dma_start3A_746] : memref<3x80xi32, #tpu.memory_space<vmem>> -> memref<1x80xi32, #tpu.memory_space<vmem>>
      %dma_start3A_748 = tpu.memref_squeeze %dma_start3A_747 : memref<1x80xi32, #tpu.memory_space<vmem>> -> memref<80xi32, #tpu.memory_space<vmem>>
      %dma_start3A_749 = arith.constant 0 : i32
      %dma_start3A_750 = arith.constant 0 : i32
      %dma_start3A_751 = tpu.memref_slice %arg11[%dma_start3A_749, %dma_start3A_750] : memref<10016x144xf32, #tpu.memory_space<vmem_shared>> -> memref<10016x144xf32, #tpu.memory_space<vmem_shared>>
      %dma_start3A_752 = tpu.memref_slice %arg13[%rem3A_674] : memref<3x!tpu.dma_semaphore, #tpu.memory_space<semaphore_mem>> -> memref<1x!tpu.dma_semaphore, #tpu.memory_space<semaphore_mem>>
      %dma_start3A_753 = tpu.memref_squeeze %dma_start3A_752 : memref<1x!tpu.dma_semaphore, #tpu.memory_space<semaphore_mem>> -> memref<!tpu.dma_semaphore, #tpu.memory_space<semaphore_mem>>
      tpu.enqueue_indirect_dma source(%dma_start3A_745 : memref<80x144xf32, #tpu.memory_space<vmem>>) target(%dma_start3A_751 : memref<10016x144xf32, #tpu.memory_space<vmem_shared>>) offsets(%dma_start3A_748 : memref<80xi32, #tpu.memory_space<vmem>>) semaphore(%dma_start3A_753 : memref<!tpu.dma_semaphore, #tpu.memory_space<semaphore_mem>>) {add = true}
      %add3A_754 = arith.constant 2 : i32
      %add3A_755 = arith.addi %scan3A_92, %add3A_754 : i32
      %lt3A_756 = arith.constant 18 : i32
      %lt3A_757 = arith.cmpi slt, %add3A_755, %lt3A_756 : i32
      %convert_element_type3A_758 = arith.extui %lt3A_757 : i1 to i32
      %cond3A_759 = arith.constant 0 : i32
      %cond3A_760 = arith.cmpi ne, %convert_element_type3A_758, %cond3A_759 : i32
      scf.if %cond3A_760 {
        %add3A_761 = arith.constant 2 : i32
        %add3A_762 = arith.addi %scan3A_92, %add3A_761 : i32
        %mul3A_763 = arith.constant 560 : i32
        %mul3A_764 = arith.muli %add3A_762, %mul3A_763 : i32
        %add3A_765 = arith.addi %mul3A_4, %mul3A_764 : i32
        %dma_start3A_766 = arith.constant 0 : i32
        %dma_start3A_767 = tpu.memref_slice %arg7[%rem3A_93, %dma_start3A_766] : memref<2x560xi32, #tpu.memory_space<vmem>> -> memref<1x560xi32, #tpu.memory_space<vmem>>
        %dma_start3A_768 = tpu.memref_squeeze %dma_start3A_767 : memref<1x560xi32, #tpu.memory_space<vmem>> -> memref<560xi32, #tpu.memory_space<vmem>>
        %dma_start3A_769 = tpu.memref_slice %arg3[%add3A_765] : memref<322560xi32, #tpu.memory_space<hbm>> -> memref<560xi32, #tpu.memory_space<hbm>>
        %dma_start3A_770 = arith.constant 0 : i32
        %dma_start3A_771 = tpu.memref_slice %arg7[%rem3A_93, %dma_start3A_770] : memref<2x560xi32, #tpu.memory_space<vmem>> -> memref<1x560xi32, #tpu.memory_space<vmem>>
        %dma_start3A_772 = tpu.memref_squeeze %dma_start3A_771 : memref<1x560xi32, #tpu.memory_space<vmem>> -> memref<560xi32, #tpu.memory_space<vmem>>
        %dma_start3A_773 = tpu.memref_slice %arg3[%add3A_765] : memref<322560xi32, #tpu.memory_space<hbm>> -> memref<560xi32, #tpu.memory_space<hbm>>
        tpu.enqueue_dma source(%dma_start3A_773 : memref<560xi32, #tpu.memory_space<hbm>>) target(%dma_start3A_772 : memref<560xi32, #tpu.memory_space<vmem>>) target_semaphore(%arg14 : memref<!tpu.dma_semaphore, #tpu.memory_space<semaphore_mem>>)
        %dma_start3A_774 = arith.constant 0 : i32
        %dma_start3A_775 = tpu.memref_slice %arg8[%rem3A_93, %dma_start3A_774] : memref<2x560xi32, #tpu.memory_space<vmem>> -> memref<1x560xi32, #tpu.memory_space<vmem>>
        %dma_start3A_776 = tpu.memref_squeeze %dma_start3A_775 : memref<1x560xi32, #tpu.memory_space<vmem>> -> memref<560xi32, #tpu.memory_space<vmem>>
        %dma_start3A_777 = tpu.memref_slice %arg4[%add3A_765] : memref<322560xi32, #tpu.memory_space<hbm>> -> memref<560xi32, #tpu.memory_space<hbm>>
        %dma_start3A_778 = arith.constant 0 : i32
        %dma_start3A_779 = tpu.memref_slice %arg8[%rem3A_93, %dma_start3A_778] : memref<2x560xi32, #tpu.memory_space<vmem>> -> memref<1x560xi32, #tpu.memory_space<vmem>>
        %dma_start3A_780 = tpu.memref_squeeze %dma_start3A_779 : memref<1x560xi32, #tpu.memory_space<vmem>> -> memref<560xi32, #tpu.memory_space<vmem>>
        %dma_start3A_781 = tpu.memref_slice %arg4[%add3A_765] : memref<322560xi32, #tpu.memory_space<hbm>> -> memref<560xi32, #tpu.memory_space<hbm>>
        tpu.enqueue_dma source(%dma_start3A_781 : memref<560xi32, #tpu.memory_space<hbm>>) target(%dma_start3A_780 : memref<560xi32, #tpu.memory_space<vmem>>) target_semaphore(%arg14 : memref<!tpu.dma_semaphore, #tpu.memory_space<semaphore_mem>>)
      } else {
      }
    }
    %scan3A_46 = arith.constant 18 : i32
    %dma_wait3A = arith.constant 0 : i32
    %dma_wait3A_47 = arith.constant 0 : i32
    %dma_wait3A_48 = arith.constant 0 : i32
    %dma_wait3A_49 = arith.constant 0 : i32
    %dma_wait3A_50 = arith.constant 0 : i32
    %dma_wait3A_51 = tpu.memref_slice %arg10[%dma_wait3A, %dma_wait3A_49, %dma_wait3A_50] : memref<3x80x144xf32, #tpu.memory_space<vmem>> -> memref<1x80x144xf32, #tpu.memory_space<vmem>>
    %dma_wait3A_52 = tpu.memref_squeeze %dma_wait3A_51 : memref<1x80x144xf32, #tpu.memory_space<vmem>> -> memref<80x144xf32, #tpu.memory_space<vmem>>
    %dma_wait3A_53 = arith.constant 0 : i32
    %dma_wait3A_54 = tpu.memref_slice %arg9[%dma_wait3A_47, %dma_wait3A_53] : memref<3x80xi32, #tpu.memory_space<vmem>> -> memref<1x80xi32, #tpu.memory_space<vmem>>
    %dma_wait3A_55 = tpu.memref_squeeze %dma_wait3A_54 : memref<1x80xi32, #tpu.memory_space<vmem>> -> memref<80xi32, #tpu.memory_space<vmem>>
    %dma_wait3A_56 = arith.constant 0 : i32
    %dma_wait3A_57 = arith.constant 0 : i32
    %dma_wait3A_58 = tpu.memref_slice %arg11[%dma_wait3A_56, %dma_wait3A_57] : memref<10016x144xf32, #tpu.memory_space<vmem_shared>> -> memref<10016x144xf32, #tpu.memory_space<vmem_shared>>
    %dma_wait3A_59 = tpu.memref_slice %arg13[%dma_wait3A_48] : memref<3x!tpu.dma_semaphore, #tpu.memory_space<semaphore_mem>> -> memref<1x!tpu.dma_semaphore, #tpu.memory_space<semaphore_mem>>
    %dma_wait3A_60 = tpu.memref_squeeze %dma_wait3A_59 : memref<1x!tpu.dma_semaphore, #tpu.memory_space<semaphore_mem>> -> memref<!tpu.dma_semaphore, #tpu.memory_space<semaphore_mem>>
    tpu.wait_indirect_dma semaphore(%dma_wait3A_60 : memref<!tpu.dma_semaphore, #tpu.memory_space<semaphore_mem>>) src(%dma_wait3A_52 : memref<80x144xf32, #tpu.memory_space<vmem>>) dst(%dma_wait3A_58 : memref<10016x144xf32, #tpu.memory_space<vmem_shared>>)
    %dma_wait3A_61 = arith.constant 1 : i32
    %dma_wait3A_62 = arith.constant 1 : i32
    %dma_wait3A_63 = arith.constant 1 : i32
    %dma_wait3A_64 = arith.constant 0 : i32
    %dma_wait3A_65 = arith.constant 0 : i32
    %dma_wait3A_66 = tpu.memref_slice %arg10[%dma_wait3A_61, %dma_wait3A_64, %dma_wait3A_65] : memref<3x80x144xf32, #tpu.memory_space<vmem>> -> memref<1x80x144xf32, #tpu.memory_space<vmem>>
    %dma_wait3A_67 = tpu.memref_squeeze %dma_wait3A_66 : memref<1x80x144xf32, #tpu.memory_space<vmem>> -> memref<80x144xf32, #tpu.memory_space<vmem>>
    %dma_wait3A_68 = arith.constant 0 : i32
    %dma_wait3A_69 = tpu.memref_slice %arg9[%dma_wait3A_62, %dma_wait3A_68] : memref<3x80xi32, #tpu.memory_space<vmem>> -> memref<1x80xi32, #tpu.memory_space<vmem>>
    %dma_wait3A_70 = tpu.memref_squeeze %dma_wait3A_69 : memref<1x80xi32, #tpu.memory_space<vmem>> -> memref<80xi32, #tpu.memory_space<vmem>>
    %dma_wait3A_71 = arith.constant 0 : i32
    %dma_wait3A_72 = arith.constant 0 : i32
    %dma_wait3A_73 = tpu.memref_slice %arg11[%dma_wait3A_71, %dma_wait3A_72] : memref<10016x144xf32, #tpu.memory_space<vmem_shared>> -> memref<10016x144xf32, #tpu.memory_space<vmem_shared>>
    %dma_wait3A_74 = tpu.memref_slice %arg13[%dma_wait3A_63] : memref<3x!tpu.dma_semaphore, #tpu.memory_space<semaphore_mem>> -> memref<1x!tpu.dma_semaphore, #tpu.memory_space<semaphore_mem>>
    %dma_wait3A_75 = tpu.memref_squeeze %dma_wait3A_74 : memref<1x!tpu.dma_semaphore, #tpu.memory_space<semaphore_mem>> -> memref<!tpu.dma_semaphore, #tpu.memory_space<semaphore_mem>>
    tpu.wait_indirect_dma semaphore(%dma_wait3A_75 : memref<!tpu.dma_semaphore, #tpu.memory_space<semaphore_mem>>) src(%dma_wait3A_67 : memref<80x144xf32, #tpu.memory_space<vmem>>) dst(%dma_wait3A_73 : memref<10016x144xf32, #tpu.memory_space<vmem_shared>>)
    %dma_wait3A_76 = arith.constant 2 : i32
    %dma_wait3A_77 = arith.constant 2 : i32
    %dma_wait3A_78 = arith.constant 2 : i32
    %dma_wait3A_79 = arith.constant 0 : i32
    %dma_wait3A_80 = arith.constant 0 : i32
    %dma_wait3A_81 = tpu.memref_slice %arg10[%dma_wait3A_76, %dma_wait3A_79, %dma_wait3A_80] : memref<3x80x144xf32, #tpu.memory_space<vmem>> -> memref<1x80x144xf32, #tpu.memory_space<vmem>>
    %dma_wait3A_82 = tpu.memref_squeeze %dma_wait3A_81 : memref<1x80x144xf32, #tpu.memory_space<vmem>> -> memref<80x144xf32, #tpu.memory_space<vmem>>
    %dma_wait3A_83 = arith.constant 0 : i32
    %dma_wait3A_84 = tpu.memref_slice %arg9[%dma_wait3A_77, %dma_wait3A_83] : memref<3x80xi32, #tpu.memory_space<vmem>> -> memref<1x80xi32, #tpu.memory_space<vmem>>
    %dma_wait3A_85 = tpu.memref_squeeze %dma_wait3A_84 : memref<1x80xi32, #tpu.memory_space<vmem>> -> memref<80xi32, #tpu.memory_space<vmem>>
    %dma_wait3A_86 = arith.constant 0 : i32
    %dma_wait3A_87 = arith.constant 0 : i32
    %dma_wait3A_88 = tpu.memref_slice %arg11[%dma_wait3A_86, %dma_wait3A_87] : memref<10016x144xf32, #tpu.memory_space<vmem_shared>> -> memref<10016x144xf32, #tpu.memory_space<vmem_shared>>
    %dma_wait3A_89 = tpu.memref_slice %arg13[%dma_wait3A_78] : memref<3x!tpu.dma_semaphore, #tpu.memory_space<semaphore_mem>> -> memref<1x!tpu.dma_semaphore, #tpu.memory_space<semaphore_mem>>
    %dma_wait3A_90 = tpu.memref_squeeze %dma_wait3A_89 : memref<1x!tpu.dma_semaphore, #tpu.memory_space<semaphore_mem>> -> memref<!tpu.dma_semaphore, #tpu.memory_space<semaphore_mem>>
    tpu.wait_indirect_dma semaphore(%dma_wait3A_90 : memref<!tpu.dma_semaphore, #tpu.memory_space<semaphore_mem>>) src(%dma_wait3A_82 : memref<80x144xf32, #tpu.memory_space<vmem>>) dst(%dma_wait3A_88 : memref<10016x144xf32, #tpu.memory_space<vmem_shared>>)
    %barrier3A_91 = arith.constant 0 : index
    tpu.barrier barrier_id(%barrier3A_91)
    "tpu.region"() ({
      %run_scoped3A_92 = tpu.sem_alloc : memref<!tpu.dma_semaphore, #tpu.memory_space<semaphore_mem>>
      %dma_start3A_93 = arith.constant 0 : i32
      %dma_start3A_94 = tpu.memref_slice %arg6[%arg0, %mul3A_0, %dma_start3A_93] : memref<2x10016x144xf32, #tpu.memory_space<hbm>> -> memref<1x626x144xf32, #tpu.memory_space<hbm>>
      %dma_start3A_95 = tpu.memref_squeeze %dma_start3A_94 : memref<1x626x144xf32, #tpu.memory_space<hbm>> -> memref<626x144xf32, #tpu.memory_space<hbm>>
      %dma_start3A_96 = arith.constant 0 : i32
      %dma_start3A_97 = tpu.memref_slice %arg11[%mul3A_0, %dma_start3A_96] : memref<10016x144xf32, #tpu.memory_space<vmem_shared>> -> memref<626x144xf32, #tpu.memory_space<vmem_shared>>
      tpu.enqueue_dma source(%dma_start3A_97 : memref<626x144xf32, #tpu.memory_space<vmem_shared>>) target(%dma_start3A_95 : memref<626x144xf32, #tpu.memory_space<hbm>>) target_semaphore(%run_scoped3A_92 : memref<!tpu.dma_semaphore, #tpu.memory_space<semaphore_mem>>)
      %dma_wait3A_98 = arith.constant 0 : i32
      %dma_wait3A_99 = tpu.memref_slice %arg6[%arg0, %mul3A_0, %dma_wait3A_98] : memref<2x10016x144xf32, #tpu.memory_space<hbm>> -> memref<1x626x144xf32, #tpu.memory_space<hbm>>
      %dma_wait3A_100 = tpu.memref_squeeze %dma_wait3A_99 : memref<1x626x144xf32, #tpu.memory_space<hbm>> -> memref<626x144xf32, #tpu.memory_space<hbm>>
      %dma_wait3A_101 = arith.constant 0 : i32
      %dma_wait3A_102 = tpu.memref_slice %arg11[%mul3A_0, %dma_wait3A_101] : memref<10016x144xf32, #tpu.memory_space<vmem_shared>> -> memref<626x144xf32, #tpu.memory_space<vmem_shared>>
      tpu.wait_dma2 semaphore(%run_scoped3A_92 : memref<!tpu.dma_semaphore, #tpu.memory_space<semaphore_mem>>) src(%dma_wait3A_102 : memref<626x144xf32, #tpu.memory_space<vmem_shared>>) dst(%dma_wait3A_100 : memref<626x144xf32, #tpu.memory_space<hbm>>)
      tpu.yield
    }) : () -> ()
    return
  }
}

module attributes {stable_mosaic.version = 14 : i64} {
  func.func @_xa_body(%arg0: i32, %arg1: memref<2000x128xf32, #tpu.memory_space<vmem>>, %arg2: memref<2000x144xf32, #tpu.memory_space<vmem>>) attributes {dimension_semantics = [#tpu.dimension_semantics<arbitrary>], iteration_bounds = array<i64: 5>, scalar_prefetch = 0 : i64, scratch_operands = 0 : i64, tpu.core_type = #tpu.core_type<tc>, window_params = [{transform_indices = @transform_0, window_bounds = array<i64: 2000, 128>}, {transform_indices = @transform_1, window_bounds = array<i64: 2000, 144>}]} {
    %get3A = arith.constant 0 : index
    %get3A_0 = arith.constant 0 : index
    %get3A_1 = vector.load %arg1[%get3A, %get3A_0] : memref<2000x128xf32, #tpu.memory_space<vmem>>, vector<2000x128xf32>
    %swap3A = arith.constant 0 : index
    %swap3A_2 = arith.constant 0 : index
    %swap3A_3 = vector.load %arg2[%swap3A, %swap3A_2] : memref<2000x144xf32, #tpu.memory_space<vmem>>, vector<2000x128xf32>
    tpu.vector_store %arg2[%swap3A, %swap3A_2], %get3A_1 {strides = array<i32>} : memref<2000x144xf32, #tpu.memory_space<vmem>>, vector<2000x128xf32>,
    %broadcast_in_dim3A = arith.constant 1.000000e+00 : f32
    %broadcast_in_dim3A_4 = vector.broadcast %broadcast_in_dim3A : f32 to vector<2000x1xf32>
    %swap3A_5 = arith.constant 0 : index
    %swap3A_6 = arith.constant 128 : index
    %swap3A_7 = vector.load %arg2[%swap3A_5, %swap3A_6] : memref<2000x144xf32, #tpu.memory_space<vmem>>, vector<2000x1xf32>
    tpu.vector_store %arg2[%swap3A_5, %swap3A_6], %broadcast_in_dim3A_4 {strides = array<i32>} : memref<2000x144xf32, #tpu.memory_space<vmem>>, vector<2000x1xf32>,
    %broadcast_in_dim3A_8 = arith.constant 0.000000e+00 : f32
    %broadcast_in_dim3A_9 = vector.broadcast %broadcast_in_dim3A_8 : f32 to vector<2000x15xf32>
    %swap3A_10 = arith.constant 0 : index
    %swap3A_11 = arith.constant 129 : index
    %swap3A_12 = vector.load %arg2[%swap3A_10, %swap3A_11] : memref<2000x144xf32, #tpu.memory_space<vmem>>, vector<2000x15xf32>
    tpu.vector_store %arg2[%swap3A_10, %swap3A_11], %broadcast_in_dim3A_9 {strides = array<i32>} : memref<2000x144xf32, #tpu.memory_space<vmem>>, vector<2000x15xf32>,
    return
  }
  func.func @transform_0(%arg0: i32) -> (i32, i32) {
    %c0_i32 = arith.constant 0 : i32
    %c0_i32_0 = arith.constant 0 : i32
    return %arg0, %c0_i32 : i32, i32
  }
  func.func @transform_1(%arg0: i32) -> (i32, i32) {
    %c0_i32 = arith.constant 0 : i32
    %c0_i32_0 = arith.constant 0 : i32
    return %arg0, %c0_i32 : i32, i32
  }
}

module attributes {stable_mosaic.version = 14 : i64} {
  func.func @_tc_body(%arg0: i32, %arg1: memref<2x2000x144xf32, #tpu.memory_space<vmem>>, %arg2: memref<144x128xf32, #tpu.memory_space<vmem>>, %arg3: memref<2000x128xf32, #tpu.memory_space<vmem>>) attributes {dimension_semantics = [#tpu.dimension_semantics<arbitrary>], iteration_bounds = array<i64: 5>, scalar_prefetch = 0 : i64, scratch_operands = 0 : i64, tpu.core_type = #tpu.core_type<tc>, window_params = [{transform_indices = @transform_0, window_bounds = array<i64: 2, 2000, 144>}, {pipeline_mode = #tpu.pipeline_mode<synchronous>, transform_indices = @transform_1, window_bounds = array<i64: 144, 128>}, {transform_indices = @transform_2, window_bounds = array<i64: 2000, 128>}]} {
    %get3A = arith.constant 0 : index
    %get3A_0 = arith.constant 0 : index
    %get3A_1 = arith.constant 0 : index
    %get3A_2 = vector.load %arg1[%get3A, %get3A_0, %get3A_1] : memref<2x2000x144xf32, #tpu.memory_space<vmem>>, vector<1x2000x144xf32>
    %get3A_3 = vector.shape_cast %get3A_2 : vector<1x2000x144xf32> to vector<2000x144xf32>
    %get3A_4 = arith.constant 1 : index
    %get3A_5 = arith.constant 0 : index
    %get3A_6 = arith.constant 0 : index
    %get3A_7 = vector.load %arg1[%get3A_4, %get3A_5, %get3A_6] : memref<2x2000x144xf32, #tpu.memory_space<vmem>>, vector<1x2000x144xf32>
    %get3A_8 = vector.shape_cast %get3A_7 : vector<1x2000x144xf32> to vector<2000x144xf32>
    %add3A = arith.addf %get3A_3, %get3A_8 : vector<2000x144xf32>
    %get3A_9 = arith.constant 0 : index
    %get3A_10 = arith.constant 0 : index
    %get3A_11 = vector.load %arg2[%get3A_9, %get3A_10] : memref<144x128xf32, #tpu.memory_space<vmem>>, vector<144x128xf32>
    %dot_general3A = arith.constant dense<0.000000e+00> : vector<2000x128xf32>
    %dot_general3A_12 = tpu.matmul %add3A, %get3A_11, %dot_general3A {dimension_numbers = #tpu.dot_dimension_numbers<[1], [0], [0], [1], [0, 0, 1, 1], [], []>, transpose_lhs_hint = false} : vector<2000x144xf32>, vector<144x128xf32>, vector<2000x128xf32> -> vector<2000x128xf32>
    %slice3A = vector.extract_strided_slice %add3A {offsets = [0, 128], sizes = [2000, 1], strides = [1, 1]} : vector<2000x144xf32> to vector<2000x1xf32>
    %max3A = arith.constant 1.000000e+00 : f32
    %max3A_13 = vector.broadcast %max3A : f32 to vector<2000x1xf32>
    %max3A_14 = arith.maximumf %slice3A, %max3A_13 : vector<2000x1xf32>
    %div3A = vector.broadcast %max3A_14 : vector<2000x1xf32> to vector<2000x128xf32>
    %div3A_15 = arith.divf %dot_general3A_12, %div3A : vector<2000x128xf32>
    %max3A_16 = arith.constant 0.000000e+00 : f32
    %max3A_17 = vector.broadcast %max3A_16 : f32 to vector<2000x128xf32>
    %max3A_18 = arith.maximumf %div3A_15, %max3A_17 : vector<2000x128xf32>
    %swap3A = arith.constant 0 : index
    %swap3A_19 = arith.constant 0 : index
    %swap3A_20 = vector.load %arg3[%swap3A, %swap3A_19] : memref<2000x128xf32, #tpu.memory_space<vmem>>, vector<2000x128xf32>
    tpu.vector_store %arg3[%swap3A, %swap3A_19], %max3A_18 {strides = array<i32>} : memref<2000x128xf32, #tpu.memory_space<vmem>>, vector<2000x128xf32>,
    return
  }
  func.func @transform_0(%arg0: i32) -> (i32, i32, i32) {
    %c0_i32 = arith.constant 0 : i32
    %c0_i32_0 = arith.constant 0 : i32
    %c0_i32_1 = arith.constant 0 : i32
    return %c0_i32, %arg0, %c0_i32_0 : i32, i32, i32
  }
  func.func @transform_1(%arg0: i32) -> (i32, i32) {
    %c0_i32 = arith.constant 0 : i32
    %c0_i32_0 = arith.constant 0 : i32
    %c0_i32_1 = arith.constant 0 : i32
    return %c0_i32, %c0_i32_0 : i32, i32
  }
  func.func @transform_2(%arg0: i32) -> (i32, i32) {
    %c0_i32 = arith.constant 0 : i32
    %c0_i32_0 = arith.constant 0 : i32
    return %arg0, %c0_i32 : i32, i32
  }
}

</mosaic_0001>

<sc_bundles>
// kernel: kernel.5.cloned.1.call-start
scs
__scs_entry_jumppad:
0x0: {  	(pc) =	sbr.rel $0x88, $3  }
0x1: {  	(tag) =	ssettag $0x0;
	lr =	simm.s32 $0x1  }
0x2: {  	[smem:$0x3F9D] =	sst lr;
	_ =	strace $0xD0000000  }
0x3: {  	_ = 	snop  }
0x4: {  	_ = 	snop  }
0x5: {  	_ = 	snop  }
0x6: {  	_ = 	snop  }
0x7: {  	_ = 	snop  }
__scs_overlays_trampoline_lowered:
0x8: {  	[smem:$0x3FAC] =	sst s0  }
0x9: {  	[smem:$0x3FAD] =	sst s1  }
0xa: {  	[smem:$0x3FAE] =	sst s2  }
0xb: {  	[smem:$0x3FAF] =	sst s3  }
0xc: {  	[smem:$0x3FB0] =	sst s4  }
0xd: {  	[smem:$0x3FB1] =	sst s5  }
0xe: {  	[smem:$0x3FB2] =	sst s6  }
0xf: {  	[smem:$0x3FB3] =	sst s7  }
0x10: {  	[smem:$0x3FB4] =	sst s8  }
0x11: {  	[smem:$0x3FB5] =	sst s9;
	s0 =	simm.s32 @!p0 $0x0  }
0x12: {  	s1 =	sld [smem:$0x3F9B];
	s0 =	simm.s32 @p0 $0x1  }
0x13: {  	[smem:$0x3FB6] =	sst s0;
	s0 =	simm.s32 @!p1 $0x0  }
0x14: {  	s2 =	sld [smem:$0x3F9A];
	s0 =	simm.s32 @p1 $0x1  }
0x15: {  	[smem:$0x3FB7] =	sst s0;
	s0 =	simm.s32 @!p2 $0x0  }
0x16: {  	s3 =	sld [smem:$0x3FDB];
	s0 =	simm.s32 @p2 $0x1  }
0x17: {  	s4 =	simm.s32 $0x1BF5;
	[smem:$0x3FB9] =	sst s0  }
0x18: {  	s0 =	sld [smem:$0x3F9C];
	_ =	swait.ge [sflag:s4], $0x0  }
0x19: {  	s7 =	sld [smem:$0x3F9D]  }
0x1a: {  	s8 =	sadd.s32 $0xFFFFE003, lr  }
0x1b: {  	s9 =	sadd.s32 $0xFFFFFEF7, lr;
	s5 =	simm.s32 $0xFFFFFFFF;
	p2 =	slt.u32 s8, $0xFFFFF086  }
0x1c: {  	p1 =	slt.u32 s9, $0xF7A;
	s5 =	simm.s32 @!p2 $0x0  }
0x1d: {  	s5 =	simm.s32 @p1 $0x1;
	p0 =	seq.s32 s7, s2  }
0x1e: {  	s7 =	smul.u32 @!p0 $0xF7A, s2;
	p2 =	seq.s32 @!p0 s5, $0x0  }
0x1f: {  	s9 =	smul.u32 $0xF7A, s1;
	s8 =	simm.s32 @!p0 $0x1BF5;
	p2 =	por !p2, p0  }
0x20: {  	[sflag:s8] =	ssyncset.s32 @!p0 $0xFFFFF086;
	s6 =	sadd.s32 @!p0 s3, s7;
	s7 =	simm.s32 @!p0 $0x108  }
0x21: {  	s3 =	sadd.s32 s3, s9;
	s6 =	sadd.s32 @!p0 $0x88, s6;
	s7 =	simm.s32 @p2 $0x1082  }
0x22: {  	[simem:s7], [sflag:s8] =	dma.local @!p0 [hbm:s6], $0xF7A  }
0x23: {  	s9 =	sor.u32 $0xD0000000, s2;
	s6 =	simm.s32 $0x108;
	_ =	swait.ge @!p0 [sflag:s8], $0x0  }
0x24: {  	s3 =	sadd.s32 $0x88, s3;
	s6 =	simm.s32 @!p1 $0x1082;
	[sflag:s4] =	ssyncset.s32 $0xFFFFF086  }
0x25: {  	[simem:s6], [sflag:s4] =	dma.local [hbm:s3], $0xF7A  }
0x26: {  	[smem:$0x3F9D] =	sst s1;
	(tag) =	ssettag s2;
	_ =	strace s9  }
0x27: {  	s1 =	sld [smem:$0x3FAD]  }
0x28: {  	s2 =	sld [smem:$0x3FAE]  }
0x29: {  	s4 =	sld [smem:$0x3FB0]  }
0x2a: {  	p0 =	seq.s32 s5, $0x0;
	s5 =	sld [smem:$0x3FB1]  }
0x2b: {  	s6 =	sld [smem:$0x3FB2]  }
0x2c: {  	s7 =	sld [smem:$0x3FB3]  }
0x2d: {  	s3 =	simm.s32 $0x108;
	s8 =	sld [smem:$0x3FB4]  }
0x2e: {  	s3 =	simm.s32 @!p0 $0x1082;
	s9 =	sld [smem:$0x3FB5]  }
0x2f: {  	lr =	sadd.s32 s0, s3;
	s0 =	sld [smem:$0x3FAC]  }
0x30: {  	s3 =	sld [smem:$0x3FAF]  }
0x31: {  	[smem:$0x3FB8] =	sst s10  }
0x32: {  	s10 =	sld [smem:$0x3FB6];
	_ =	sdelay $0x3  }
0x33: {  	p0 =	seq.s32 s10, $0x1;
	s10 =	sld [smem:$0x3FB8];
	_ =	sdelay $0x3  }
0x34: {  	[smem:$0x3FB8] =	sst s10  }
0x35: {  	s10 =	sld [smem:$0x3FB7];
	_ =	sdelay $0x3  }
0x36: {  	p1 =	seq.s32 s10, $0x1;
	s10 =	sld [smem:$0x3FB8];
	_ =	sdelay $0x3  }
0x37: {  	[smem:$0x3FB8] =	sst s10  }
0x38: {  	s10 =	sld [smem:$0x3FB9]  }
0x39: {  	_ = 	snop;
	(pc) =	sbr.ind lr, $3  }
0x3a: {  	_ = 	snop  }
0x3b: {  	_ = 	snop  }
0x3c: {  	p2 =	seq.s32 s10, $0x1;
	s10 =	sld [smem:$0x3FB8]  }
0x3d: {  	_ =	shalt  }
0x3e: {  	_ =	shalt  }
0x3f: {  	_ =	shalt  }
0x40: {  	_ =	shalt  }
0x41: {  	_ =	shalt  }
0x42: {  	_ =	shalt  }
0x43: {  	_ =	shalt  }
0x44: {  	_ =	shalt  }
0x45: {  	_ =	shalt  }
0x46: {  	_ =	shalt  }
0x47: {  	_ =	shalt  }
0x48: {  	_ =	shalt  }
0x49: {  	_ =	shalt  }
0x4a: {  	_ =	shalt  }
0x4b: {  	_ =	shalt  }
0x4c: {  	_ =	shalt  }
0x4d: {  	_ =	shalt  }
0x4e: {  	_ =	shalt  }
0x4f: {  	_ =	shalt  }
0x50: {  	_ =	shalt  }
0x51: {  	_ =	shalt  }
0x52: {  	_ =	shalt  }
0x53: {  	_ =	shalt  }
0x54: {  	_ =	shalt  }
0x55: {  	_ =	shalt  }
0x56: {  	_ =	shalt  }
0x57: {  	_ =	shalt  }
0x58: {  	_ =	shalt  }
0x59: {  	_ =	shalt  }
0x5a: {  	_ =	shalt  }
0x5b: {  	_ =	shalt  }
0x5c: {  	_ =	shalt  }
0x5d: {  	_ =	shalt  }
0x5e: {  	_ =	shalt  }
0x5f: {  	_ =	shalt  }
0x60: {  	_ =	shalt  }
0x61: {  	_ =	shalt  }
0x62: {  	_ =	shalt  }
0x63: {  	_ =	shalt  }
0x64: {  	_ =	shalt  }
0x65: {  	_ =	shalt  }
0x66: {  	_ =	shalt  }
0x67: {  	_ =	shalt  }
0x68: {  	_ =	shalt  }
0x69: {  	_ =	shalt  }
0x6a: {  	_ =	shalt  }
0x6b: {  	_ =	shalt  }
0x6c: {  	_ =	shalt  }
0x6d: {  	_ =	shalt  }
0x6e: {  	_ =	shalt  }
0x6f: {  	_ =	shalt  }
0x70: {  	_ =	shalt  }
0x71: {  	_ =	shalt  }
0x72: {  	_ =	shalt  }
0x73: {  	_ =	shalt  }
0x74: {  	_ =	shalt  }
0x75: {  	_ =	shalt  }
0x76: {  	_ =	shalt  }
0x77: {  	_ =	shalt  }
0x78: {  	_ =	shalt  }
0x79: {  	_ =	shalt  }
0x7a: {  	_ =	shalt  }
0x7b: {  	_ =	shalt  }
0x7c: {  	_ =	shalt  }
0x7d: {  	_ =	shalt  }
0x7e: {  	_ =	shalt  }
0x7f: {  	_ =	shalt  }
0x80: {  	_ =	shalt  }
0x81: {  	_ =	shalt  }
0x82: {  	_ =	shalt  }
0x83: {  	_ =	shalt  }
0x84: {  	_ =	shalt  }
0x85: {  	_ =	shalt  }
0x86: {  	_ =	shalt  }
0x87: {  	_ =	shalt  }
.Lfunc_end0:
.L_simem_size_0:
called_computation_lowered:
.L_overlay_start_0:
0x88: {  	s2 =	sld [smem:$0x3FD9]  }
0x89: {  	s3 =	sld [smem:$0x3FFE];
	_ =	sdelay $0x1  }
0x8a: {  	s1 =	srdreg.scid  }
0x8b: {  	s0 =	sand.u32 $0x1, s1  }
0x8c: {  	s17 =	sshll.u32 s0, $0xA;
	s2 =	sadd.s32 s3, s2  }
0x8d: {  	s2 =	sadd.s32 s2, s17  }
0x8e: {  	[smem:$0x3FC4] =	sst s2  }
0x8f: {  	_ = 	snop  }
0x90: {  	s2 =	sld [smem:$0x3FD0];
	(tm) =	ssettm $0x1  }
0x91: {  	s18 =	sld [smem:$0x3FFB];
	_ =	sdelay $0x3  }
0x92: {  	_ =	strace s18  }
0x93: {  	s3 =	sld [smem:$0x3FFC];
	_ =	sdelay $0x3  }
0x94: {  	_ =	strace s3  }
0x95: {  	s3 =	sld [smem:$0x3FFD];
	_ =	sdelay $0x3  }
0x96: {  	_ =	strace s3  }
0x97: {  	_ =	strace $0x8FFFFFFF  }
0x98: {  	s19 =	sld [smem:$0x3FDB];
	_ =	sdelay $0x1  }
0x99: {  	s4 =	simm.s32 $_scs_section_size  }
0x9a: {  	s5 =	simm.s32 $_size__tile_overlayer_lowered;
	s6 =	simm.s32 $_tile_overlayer_lowered  }
0x9b: {  	s22 =	simm.s32 $0x1BFF;
	s21 =	sshll.u32 s6, $0x1;
	s3 =	sadd.s32 s4, s19  }
0x9c: {  	s7 =	simm.s32 $0x0;
	s20 =	sshll.u32 s5, $0x1;
	s5 =	sadd.s32 s21, s3  }
0x9d: {  	[timem:s7], [sflag:s22] =	dma.local [hbm:s5], s20  }
0x9e: {  	_ =	swait.ge [sflag:s22], s20  }
0x9f: {  	s4 =	ssub.s32 $0x0, s20;
	[sflag:s22] =	ssyncset.done $0x0  }
0xa0: {  	[sflag:s22] =	ssyncadd.s32 s4;
	_ =	sdelay $0x1  }
0xa1: {  	s23 =	simm.s32 $0x1B8B  }
0xa2: {  	_ =	swait.ge [sflag:s23], $0x1  }
0xa3: {  	[sflag:s23] =	ssyncset.done $0x0  }
0xa4: {  	s25 =	simm.s32 $0x1B8E;
	s24 =	sld [smem:$0x3FFE];
	[sflag:s23] =	ssyncadd.s32 $0xFFFFFFFF  }
0xa5: {  	s26 =	simm.s32 $execute0_lowered;
	[smem:$0x3FD2] =	sst s25  }
0xa6: {  	s5 =	sshll.u32 s26, $0x1;
	_ =	strace $0x80000046;
	[dreg:$0x1] =	wrdreg $0xFFFFFFFF  }
0xa7: {  	s28 =	simm.s32 $_size_execute0_lowered;
	s3 =	sadd.s32 s3, s5;
	[dreg:$0x0] =	wrdreg $0x0  }
0xa8: {  	s5 =	sshll.u32 s28, $0x1;
	[dreg:$0x2] =	wrdreg s3  }
0xa9: {  	[dreg:$0x3] =	wrdreg s5  }
0xaa: {  	[dreg:$0x4] =	wrdreg $0xC0  }
0xab: {  	_ =	task [dreg:s7], $0x5FFFF  }
0xac: {  	[dreg:$0x1] =	wrdreg $0xFFFFFFFF  }
0xad: {  	[dreg:$0x0] =	wrdreg $0x60  }
0xae: {  	[dreg:$0x2] =	wrdreg s24  }
0xaf: {  	[dreg:$0x3] =	wrdreg s2  }
0xb0: {  	[dreg:$0x4] =	wrdreg $0x90B00  }
0xb1: {  	[dreg:$0x5] =	wrdreg $0x9  }
0xb2: {  	_ =	task.clear_ibuf [dreg:s7], $0x6FFFF;
	_ =	strace $0x90000046  }
0xb3: {  	s29 =	simm.s32 $0x9;
	_ =	strace $0x80000048  }
0xb4: {  	_ =	swait.ge [sflag:s29], $0x1  }
0xb5: {  	[sflag:s29] =	ssyncadd.s32 $0xFFFFFFFF  }
0xb6: {  	_ =	strace $0x90000048  }
0xb7: {  	_ =	sfence  }
0xb8: {  	s30 =	sld [smem:$0x0];
	_ =	sdelay $0x2  }
0xb9: {  	s31 =	sshll.u32 s1, $0xD;
	s1 =	sshrl.u32 s1, $0x2  }
0xba: {  	s3 =	sand.u32 $0x4000, s31;
	s1 =	sadd.s32 s1, s30  }
0xbb: {  	s0 =	sor.u32 s3, s0;
	s1 =	sshll.u32 s1, $0x11  }
0xbc: {  	s0 =	sor.u32 s1, s0  }
0xbd: {  	s0 =	sadd.s32 $0x8F2B, s0  }
0xbe: {  	[sflag:s0] =	ssyncadd.remote.s32 $0x1  }
0xbf: {  	_ =	sfence.sel $0xFFFF  }
0xc0: {  	[dreg:$0x0] =	wrdreg $0xFFFFFFFF;
	(pc) =	sbr.abs _section_cstart, $3  }
0xc1: {  	[dreg:$0x1] =	wrdreg $0xFFFFFFFF  }
0xc2: {  	_ =	task.clear_ibuf [dreg:s7], $0x2FFFF;
	_ =	strace $0x9FFFFFFF  }
0xc3: {  	(tm) =	ssettm $0x7FFFFFFF  }
tec
execute0_lowered:
.L_overlay_start_1:
0x0: {  	(tag) =	ssettag $0x1  }
0x1: {  	s0 =	rddreg [dreg:$0x0]  }
0x2: {  	s1 =	rddreg [dreg:$0x1]  }
0x3: {  	s4 =	rddreg [dreg:$0x2]  }
0x4: {  	s2 =	simm.s32 $0x0;
	s18 =	srdreg.scid;
	s10 =	stileid.u32  }
0x5: {  	[smem:$0x7FF] =	sst s2;
	s2 =	sand.u32 $0x1, s18;
	s3 =	smul.u32 $0x16020, s10  }
0x6: {  	s5 =	sadd.s32 $0xA000, s0;
	s7 =	sadd.s32 $0x200, s0;
	s8 =	sadd.s32 $0x36200, s0  }
0x7: {  	s22 =	smul.u32 $0x2760, s10;
	s23 =	sshll.u32 s10, $0x6;
	_ =	strace $0x80000047  }
0x8: {  	[dreg:$0x4] =	wrdreg s5;
	s19 =	smul.u32 $0x160200, s2;
	s6 =	sshll.u32 s2, $0x4  }
0x9: {  	[dreg:$0xe] =	wrdreg s8;
	s20 =	ssub.s32 $0x2, s2;
	s2 =	smul.u32 $0x27600, s2  }
0xa: {  	s6 =	sor.u32 s10, s6;
	s9 =	sshrl.u32 s20, $0x1;
	s5 =	sadd.s32 s3, s19  }
0xb: {  	s6 =	smul.u32 $0x2760, s6;
	s21 =	ssub.s32 s20, s9;
	s3 =	sadd.s32 s3, s4  }
0xc: {  	s4 =	sor.u32 $0x1C08, s23;
	s2 =	sadd.s32 s22, s2;
	s5 =	sshrl.u32 s5, $0x3  }
0xd: {  	s28 =	smax.u32 s21, $0x1;
	[dreg:$0xf] =	wrdreg s4;
	s6 =	sshrl.u32 s6, $0x3  }
0xe: {  	s2 =	sadd.s32 $0x460, s2;
	[dreg:$0x15] =	wrdreg s28;
	s24 =	sadd.s32 s1, s6  }
0xf: {  	s0 =	sadd.s32 s5, s0;
	s25 =	sadd.s32 s7, s6;
	[dreg:$0x10] =	wrdreg s24  }
0x10: {  	s2 =	sshrl.u32 s2, $0x3;
	s0 =	sadd.s32 $0x39000, s0;
	[dreg:$0x11] =	wrdreg s25  }
0x11: {  	s30 =	sadd.s32 s2, s7;
	[dreg:$0x14] =	wrdreg s0  }
0x12: {  	s6 =	sadd.s32 $0x46, s6;
	s31 =	sadd.s32 s2, s1;
	[dreg:$0x16] =	wrdreg s30  }
0x13: {  	s26 =	sadd.s32 s1, s6;
	[dreg:$0x17] =	wrdreg s31  }
0x14: {  	s6 =	sadd.s32 s7, s6;
	[dreg:$0x12] =	wrdreg s26  }
0x15: {  	s29 =	simm.s32 $0x50;
	s1 =	sshrl.u32 s3, $0x3;
	[dreg:$0x13] =	wrdreg s6  }
0x16: {  	s2 =	simm.s32 $0x0;
	s3 =	simm.s32 $0x8;
	[dreg:$0x18] =	wrdreg s1  }
.LBB2_1:
0x17: {  	[dreg:$0x19] =	wrdreg s2  }
0x18: {  	s0 =	rddreg [dreg:$0xe]  }
0x19: {  	[spmem:s1], [sflag:s4] =	dma.local [hbm:s0], $0x2C04  }
0x1a: {  	_ =	swait.ge [sflag:s3], $0x2C04  }
0x1b: {  	[sflag:s3] =	ssyncset.done $0x0  }
0x1c: {  	s31 =	simm.s32 $0x0;
	s4 =	rddreg [dreg:$0x10];
	[sflag:s3] =	ssyncadd.s32 $0xFFFFD3FC  }
0x1d: {  	[tilespmem:s31], [sflag:$0x8] =	stream.linear.gather [hbm4b:s4+s31], $0x230, $0x38;
	[tilespmem:$0x1F0D0] =	vst v63  }
0x1e: {  	_ =	swait.ge [sflag:s3], $0x230  }
0x1f: {  	s6 =	simm.s32 $0x460;
	[sflag:s3] =	ssyncset.done $0x0  }
0x20: {  	s0 =	smul.u32 $0x7, s31;
	s5 =	rddreg [dreg:$0x11];
	[sflag:s3] =	ssyncadd.s32 $0xFFFFFDD0  }
0x21: {  	[tilespmem:s6], [sflag:$0x8] =	stream.linear.gather [hbm4b:s5+s31], $0x230, $0x38;
	[tilespmem:$0x1F0D0] =	vst v63  }
0x22: {  	s14 =	simm.s32 $0x50;
	s10 =	sadd.s32 $0x1, s0;
	_ =	swait.ge [sflag:s3], $0x230  }
0x23: {  	s7 =	simm.s32 $0x9B0;
	s11 =	sand.u32 $0xFF, s10;
	[sflag:s3] =	ssyncset.done $0x0  }
0x24: {  	s9 =	simm.s32 $0x230;
	[sflag:s3] =	ssyncadd.s32 $0xFFFFFDD0;
	s3 =	smul.u32 $0xAB, s11  }
0x25: {  	p0 =	por $0x1, $0x1;
	s30 =	simm.s32 $0x230;
	[bflag:$0x0] =	sbarrier.arrive $0xFFFF  }
0x26: {  	s13 =	sand.u32 $0x1, s31;
	s4 =	rddreg [dreg:$0x4];
	s3 =	sshrl.u32 s3, $0x9  }
0x27: {  	[tilespmem:s7], [sflag:$0x1] =	stream.indirect.gather [hbm4b:s4+s14], $0x90, s31, s14, $0xb8;
	[tilespmem:$0x1F0D0] =	vst v63  }
0x28: {  	s12 =	sand.u32 $0xFF, s0;
	s8 =	rddreg [dreg:$0x12];
	s3 =	smul.u32 $0x3, s3  }
0x29: {  	[tilespmem:s9], [sflag:$0x7] =	stream.linear.gather [hbm4b:s8+s31], $0x230, $0x38;
	[tilespmem:$0x1F0D0] =	vst v63  }
0x2a: {  	s6 =	simm.s32 $0x690;
	s5 =	rddreg [dreg:$0x13];
	s1 =	ssub.s32 s10, s3  }
0x2b: {  	[tilespmem:s6], [sflag:$0x7] =	stream.linear.gather [hbm4b:s5+s31], $0x230, $0x38;
	[tilespmem:$0x1F0D0] =	vst v63  }
0x2c: {  	p1 =	seq.s32 s13, $0x1;
	s3 =	sand.u32 $0xFF, s1;
	s5 =	smul.u32 $0xAB, s12  }
0x2d: {  	s30 =	simm.s32 @!p1 $0x0;
	s1 =	smul.u32 $0xB400, s3;
	s7 =	sadd.s32 @!p0 $0x4, s3  }
0x2e: {  	s9 =	sadd.s32 $0x50, s30;
	s16 =	sadd.s32 $0x1, s3;
	_ =	swait.ge @!p0 [sflag:s7], $0x2D00  }
0x2f: {  	s5 =	sshrl.u32 s5, $0x9;
	s1 =	sshrl.u32 s1, $0x2;
	[sflag:s7] =	ssyncset.done @!p0 $0x0  }
0x30: {  	s8 =	smul.u32 $0x3, s5;
	s15 =	sadd.s32 $0x9B0, s1;
	[sflag:s7] =	ssyncadd.s32 @!p0 $0xFFFFD300  }
0x31: {  	[tilespmem:s15], [sflag:s16] =	stream.indirect.gather [hbm4b:s4+s14], $0x90, s9, s14, $0xb8;
	[tilespmem:$0x1F0D0] =	vst v63  }
0x32: {  	s17 =	ssub.s32 s0, s8;
	v0 =	vld [tilespmem:s30+$0x460]  }
0x33: {  	s18 =	sand.u32 $0xFF, s17  }
0x34: {  	s1 =	smul.u32 $0x140, s18;
	_ =	sdelay $0x1  }
0x35: {  	s19 =	sshrl.u32 s1, $0x2  }
0x36: {  	[tilespmem:s19+$0x8C0] =	vst v0  }
0x37: {  	v0 =	vld [tilespmem:s30+$0x470];
	_ =	sdelay $0x4  }
0x38: {  	[tilespmem:s19+$0x8D0] =	vst v0  }
0x39: {  	v0 =	vld [tilespmem:s30+$0x480];
	_ =	sdelay $0x4  }
0x3a: {  	[tilespmem:s19+$0x8E0] =	vst v0  }
0x3b: {  	v0 =	vld [tilespmem:s30+$0x490];
	_ =	sdelay $0x4  }
0x3c: {  	s20 =	sadd.s32 $0x2, s0;
	[tilespmem:s19+$0x8F0] =	vst v0  }
0x3d: {  	s10 =	sand.u32 $0xFF, s20;
	v0 =	vld [tilespmem:s30+$0x4A0]  }
0x3e: {  	s10 =	smul.u32 $0xAB, s10;
	_ =	sdelay $0x1  }
0x3f: {  	s10 =	sshrl.u32 s10, $0x9  }
0x40: {  	s10 =	smul.u32 $0x3, s10  }
0x41: {  	s21 =	smul.u32 $0xB400, s18;
	s11 =	sadd.s32 $0x1, s18;
	[tilespmem:s19+$0x900] =	vst v0  }
0x42: {  	s7 =	sadd.s32 $0x4, s18;
	s1 =	ssub.s32 s20, s10;
	_ =	swait.ge [sflag:s11], $0x2D00  }
0x43: {  	s10 =	sshrl.u32 s21, $0x2;
	s1 =	sand.u32 $0xFF, s1;
	[sflag:s11] =	ssyncset.done $0x0  }
0x44: {  	s10 =	sadd.s32 $0x9B0, s10;
	s8 =	sadd.s32 $0x8C0, s19;
	[sflag:s11] =	ssyncadd.s32 $0xFFFFD300  }
0x45: {  	s12 =	smul.u32 $0xB400, s1;
	s11 =	sadd.s32 @!p0 $0x4, s1;
	s2 =	rddreg [dreg:$0x2]  }
0x46: {  	[spmem:s2] =	stream.indirect.scatter.add.f32 [tilespmem:s10], [sflag:s7], $0x90, s8, s14, $0xb8;
	[tilespmem:$0x1F0D0] =	vst v63  }
0x47: {  	_ =	swait.ge @!p0 [sflag:s11], $0x2D00  }
0x48: {  	s23 =	sadd.s32 $0xA0, s30;
	s22 =	sshrl.u32 s12, $0x2;
	[sflag:s11] =	ssyncset.done @!p0 $0x0  }
0x49: {  	s24 =	sadd.s32 $0x1, s1;
	s7 =	sadd.s32 $0x9B0, s22;
	[sflag:s11] =	ssyncadd.s32 @!p0 $0xFFFFD300  }
0x4a: {  	[tilespmem:s7], [sflag:s24] =	stream.indirect.gather [hbm4b:s4+s14], $0x90, s23, s14, $0xb8;
	[tilespmem:$0x1F0D0] =	vst v63  }
0x4b: {  	v0 =	vld [tilespmem:s9+$0x460];
	_ =	sdelay $0x1  }
0x4c: {  	s25 =	smul.u32 $0x140, s3;
	_ =	sdelay $0x1  }
0x4d: {  	s9 =	sshrl.u32 s25, $0x2  }
0x4e: {  	[tilespmem:s9+$0x8C0] =	vst v0  }
0x4f: {  	v0 =	vld [tilespmem:s30+$0x4C0];
	_ =	sdelay $0x4  }
0x50: {  	[tilespmem:s9+$0x8D0] =	vst v0  }
0x51: {  	v0 =	vld [tilespmem:s30+$0x4D0];
	_ =	sdelay $0x4  }
0x52: {  	[tilespmem:s9+$0x8E0] =	vst v0  }
0x53: {  	v0 =	vld [tilespmem:s30+$0x4E0];
	_ =	sdelay $0x3  }
0x54: {  	s26 =	sadd.s32 $0x3, s0  }
0x55: {  	s28 =	sand.u32 $0xFF, s26;
	[tilespmem:s9+$0x8F0] =	vst v0  }
0x56: {  	s11 =	smul.u32 $0xAB, s28;
	v0 =	vld [tilespmem:s30+$0x4F0];
	_ =	sdelay $0x1  }
0x57: {  	s11 =	sshrl.u32 s11, $0x9  }
0x58: {  	s11 =	smul.u32 $0x3, s11;
	_ =	sdelay $0x1  }
0x59: {  	s10 =	ssub.s32 s26, s11;
	[tilespmem:s9+$0x900] =	vst v0  }
0x5a: {  	s10 =	sand.u32 $0xFF, s10;
	_ =	swait.ge [sflag:s16], $0x2D00  }
0x5b: {  	s13 =	sadd.s32 $0x4, s3;
	s31 =	smul.u32 $0xB400, s10;
	[sflag:s16] =	ssyncset.done $0x0  }
0x5c: {  	s3 =	sor.u32 $0x4, s10;
	s9 =	sadd.s32 $0x8C0, s9;
	[sflag:s16] =	ssyncadd.s32 $0xFFFFD300  }
0x5d: {  	[spmem:s2] =	stream.indirect.scatter.add.f32 [tilespmem:s15], [sflag:s13], $0x90, s9, s14, $0xb8;
	[tilespmem:$0x1F0D0] =	vst v63  }
0x5e: {  	_ =	swait.ge [sflag:s3], $0x2D00  }
0x5f: {  	s18 =	sadd.s32 $0x1, s10;
	s15 =	sshrl.u32 s31, $0x2;
	[sflag:s3] =	ssyncset.done $0x0  }
0x60: {  	s16 =	sadd.s32 $0xF0, s30;
	s17 =	sadd.s32 $0x9B0, s15;
	[sflag:s3] =	ssyncadd.s32 $0xFFFFD300  }
0x61: {  	[tilespmem:s17], [sflag:s18] =	stream.indirect.gather [hbm4b:s4+s14], $0x90, s16, s14, $0xb8;
	[tilespmem:$0x1F0D0] =	vst v63  }
0x62: {  	v0 =	vld [tilespmem:s30+$0x500];
	_ =	sdelay $0x1  }
0x63: {  	s19 =	smul.u32 $0x140, s1;
	_ =	sdelay $0x1  }
0x64: {  	s20 =	sshrl.u32 s19, $0x2  }
0x65: {  	[tilespmem:s20+$0x8C0] =	vst v0  }
0x66: {  	v0 =	vld [tilespmem:s30+$0x510];
	_ =	sdelay $0x4  }
0x67: {  	[tilespmem:s20+$0x8D0] =	vst v0  }
0x68: {  	v0 =	vld [tilespmem:s30+$0x520];
	_ =	sdelay $0x4  }
0x69: {  	[tilespmem:s20+$0x8E0] =	vst v0  }
0x6a: {  	v0 =	vld [tilespmem:s30+$0x530];
	_ =	sdelay $0x3  }
0x6b: {  	s21 =	sadd.s32 $0x4, s0  }
0x6c: {  	s22 =	sand.u32 $0xFF, s21;
	[tilespmem:s20+$0x8F0] =	vst v0  }
0x6d: {  	s12 =	smul.u32 $0xAB, s22;
	v0 =	vld [tilespmem:s30+$0x540];
	_ =	sdelay $0x1  }
0x6e: {  	s12 =	sshrl.u32 s12, $0x9  }
0x6f: {  	s12 =	smul.u32 $0x3, s12;
	_ =	sdelay $0x1  }
0x70: {  	s5 =	ssub.s32 s21, s12;
	[tilespmem:s20+$0x900] =	vst v0  }
0x71: {  	s12 =	sand.u32 $0xFF, s5;
	_ =	swait.ge [sflag:s24], $0x2D00  }
0x72: {  	s1 =	sadd.s32 $0x4, s1;
	s5 =	sor.u32 $0x4, s12;
	[sflag:s24] =	ssyncset.done $0x0  }
0x73: {  	s11 =	sadd.s32 $0x8C0, s20;
	s13 =	smul.u32 $0xB400, s12;
	[sflag:s24] =	ssyncadd.s32 $0xFFFFD300  }
0x74: {  	[spmem:s2] =	stream.indirect.scatter.add.f32 [tilespmem:s7], [sflag:s1], $0x90, s11, s14, $0xb8;
	[tilespmem:$0x1F0D0] =	vst v63  }
0x75: {  	_ =	swait.ge [sflag:s5], $0x2D00  }
0x76: {  	s8 =	sadd.s32 $0x1, s12;
	s23 =	sshrl.u32 s13, $0x2;
	[sflag:s5] =	ssyncset.done $0x0  }
0x77: {  	s24 =	sor.u32 $0x140, s30;
	s7 =	sadd.s32 $0x9B0, s23;
	[sflag:s5] =	ssyncadd.s32 $0xFFFFD300  }
0x78: {  	[tilespmem:s7], [sflag:s8] =	stream.indirect.gather [hbm4b:s4+s14], $0x90, s24, s14, $0xb8;
	[tilespmem:$0x1F0D0] =	vst v63  }
0x79: {  	v0 =	vld [tilespmem:s30+$0x550];
	_ =	sdelay $0x1  }
0x7a: {  	s25 =	smul.u32 $0x140, s10;
	_ =	sdelay $0x1  }
0x7b: {  	s1 =	sshrl.u32 s25, $0x2  }
0x7c: {  	[tilespmem:s1+$0x8C0] =	vst v0  }
0x7d: {  	v0 =	vld [tilespmem:s30+$0x560];
	_ =	sdelay $0x4  }
0x7e: {  	[tilespmem:s1+$0x8D0] =	vst v0  }
0x7f: {  	v0 =	vld [tilespmem:s30+$0x570];
	_ =	sdelay $0x4  }
0x80: {  	[tilespmem:s1+$0x8E0] =	vst v0  }
0x81: {  	v0 =	vld [tilespmem:s30+$0x580];
	_ =	sdelay $0x4  }
0x82: {  	s26 =	sadd.s32 $0x5, s0;
	[tilespmem:s1+$0x8F0] =	vst v0  }
0x83: {  	s28 =	sand.u32 $0xFF, s26;
	v0 =	vld [tilespmem:s30+$0x590]  }
0x84: {  	s11 =	smul.u32 $0xAB, s28;
	_ =	sdelay $0x1  }
0x85: {  	s11 =	sshrl.u32 s11, $0x9  }
0x86: {  	s31 =	sor.u32 $0x900, s1;
	s11 =	smul.u32 $0x3, s11  }
0x87: {  	[tilespmem:s31+$0x0] =	vst v0  }
0x88: {  	s10 =	ssub.s32 s26, s11;
	_ =	swait.ge [sflag:s18], $0x2D00  }
0x89: {  	s15 =	sadd.s32 $0x8C0, s1;
	s13 =	sand.u32 $0xFF, s10;
	[sflag:s18] =	ssyncset.done $0x0  }
0x8a: {  	s10 =	smul.u32 $0xB400, s13;
	s1 =	sor.u32 $0x4, s13;
	[sflag:s18] =	ssyncadd.s32 $0xFFFFD300  }
0x8b: {  	[spmem:s2] =	stream.indirect.scatter.add.f32 [tilespmem:s17], [sflag:s3], $0x90, s15, s14, $0xb8;
	[tilespmem:$0x1F0D0] =	vst v63  }
0x8c: {  	_ =	swait.ge [sflag:s1], $0x2D00  }
0x8d: {  	s19 =	sadd.s32 $0x1, s13;
	s16 =	sshrl.u32 s10, $0x2;
	[sflag:s1] =	ssyncset.done $0x0  }
0x8e: {  	s18 =	sadd.s32 $0x9B0, s16;
	s17 =	sadd.s32 $0x190, s30;
	[sflag:s1] =	ssyncadd.s32 $0xFFFFD300  }
0x8f: {  	[tilespmem:s18], [sflag:s19] =	stream.indirect.gather [hbm4b:s4+s14], $0x90, s17, s14, $0xb8;
	[tilespmem:$0x1F0D0] =	vst v63  }
0x90: {  	v0 =	vld [tilespmem:s30+$0x5A0];
	_ =	sdelay $0x1  }
0x91: {  	s20 =	smul.u32 $0x140, s12;
	_ =	sdelay $0x1  }
0x92: {  	s21 =	sshrl.u32 s20, $0x2  }
0x93: {  	[tilespmem:s21+$0x8C0] =	vst v0  }
0x94: {  	v0 =	vld [tilespmem:s30+$0x5B0];
	_ =	sdelay $0x4  }
0x95: {  	[tilespmem:s21+$0x8D0] =	vst v0  }
0x96: {  	v0 =	vld [tilespmem:s30+$0x5C0];
	_ =	sdelay $0x4  }
0x97: {  	[tilespmem:s21+$0x8E0] =	vst v0  }
0x98: {  	v0 =	vld [tilespmem:s30+$0x5D0];
	_ =	sdelay $0x4  }
0x99: {  	s22 =	sadd.s32 $0x6, s0;
	[tilespmem:s21+$0x8F0] =	vst v0  }
0x9a: {  	s23 =	sand.u32 $0xFF, s22;
	v0 =	vld [tilespmem:s30+$0x5E0]  }
0x9b: {  	s10 =	smul.u32 $0xAB, s23;
	_ =	sdelay $0x1  }
0x9c: {  	s10 =	sshrl.u32 s10, $0x9  }
0x9d: {  	s24 =	sor.u32 $0x900, s21;
	s10 =	smul.u32 $0x3, s10  }
0x9e: {  	[tilespmem:s24+$0x0] =	vst v0  }
0x9f: {  	s3 =	ssub.s32 s22, s10;
	_ =	swait.ge [sflag:s8], $0x2D00  }
0xa0: {  	s26 =	sadd.s32 $0x8C0, s21;
	s3 =	sand.u32 $0xFF, s3;
	[sflag:s8] =	ssyncset.done $0x0  }
0xa1: {  	s25 =	smul.u32 $0xB400, s3;
	s9 =	sor.u32 $0x4, s3;
	[sflag:s8] =	ssyncadd.s32 $0xFFFFD300  }
0xa2: {  	[spmem:s2] =	stream.indirect.scatter.add.f32 [tilespmem:s7], [sflag:s5], $0x90, s26, s14, $0xb8;
	[tilespmem:$0x1F0D0] =	vst v63  }
0xa3: {  	_ =	swait.ge [sflag:s9], $0x2D00  }
0xa4: {  	s31 =	sadd.s32 $0x1E0, s30;
	s28 =	sshrl.u32 s25, $0x2;
	[sflag:s9] =	ssyncset.done $0x0  }
0xa5: {  	s10 =	sadd.s32 $0x9B0, s28;
	s8 =	sadd.s32 $0x1, s3;
	[sflag:s9] =	ssyncadd.s32 $0xFFFFD300  }
0xa6: {  	[tilespmem:s10], [sflag:s8] =	stream.indirect.gather [hbm4b:s4+s14], $0x90, s31, s14, $0xb8;
	[tilespmem:$0x1F0D0] =	vst v63  }
0xa7: {  	v0 =	vld [tilespmem:s30+$0x5F0];
	_ =	sdelay $0x1  }
0xa8: {  	s13 =	smul.u32 $0x140, s13;
	_ =	sdelay $0x1  }
0xa9: {  	s5 =	sshrl.u32 s13, $0x2  }
0xaa: {  	[tilespmem:s5+$0x8C0] =	vst v0  }
0xab: {  	v0 =	vld [tilespmem:s30+$0x600];
	_ =	sdelay $0x4  }
0xac: {  	[tilespmem:s5+$0x8D0] =	vst v0  }
0xad: {  	v0 =	vld [tilespmem:s30+$0x610];
	_ =	sdelay $0x4  }
0xae: {  	[tilespmem:s5+$0x8E0] =	vst v0  }
0xaf: {  	v0 =	vld [tilespmem:s30+$0x620];
	_ =	sdelay $0x3  }
0xb0: {  	p0 =	por $0x0, $0x0  }
0xb1: {  	s0 =	sadd.s32 @!p0 $0x7, s0;
	[tilespmem:s5+$0x8F0] =	vst v0  }
0xb2: {  	s12 =	sand.u32 @!p0 $0xFF, s0;
	v0 =	vld [tilespmem:s30+$0x630]  }
0xb3: {  	s12 =	smul.u32 @!p0 $0xAB, s12;
	_ =	sdelay $0x1  }
0xb4: {  	s12 =	sshrl.u32 @!p0 s12, $0x9  }
0xb5: {  	s12 =	smul.u32 @!p0 $0x3, s12;
	s15 =	sor.u32 $0x900, s5  }
0xb6: {  	[tilespmem:s15+$0x0] =	vst v0  }
0xb7: {  	s0 =	ssub.s32 @!p0 s0, s12;
	_ =	swait.ge [sflag:s19], $0x2D00  }
0xb8: {  	s0 =	sand.u32 @!p0 $0xFF, s0;
	[sflag:s19] =	ssyncset.done $0x0  }
0xb9: {  	s12 =	sor.u32 @!p0 $0x4, s0;
	s5 =	sadd.s32 $0x8C0, s5;
	[sflag:s19] =	ssyncadd.s32 $0xFFFFD300  }
0xba: {  	[spmem:s2] =	stream.indirect.scatter.add.f32 [tilespmem:s18], [sflag:s1], $0x90, s5, s14, $0xb8;
	[tilespmem:$0x1F0D0] =	vst v63  }
0xbb: {  	_ =	swait.ge @!p0 [sflag:s12], $0x2D00  }
0xbc: {  	[sflag:s12] =	ssyncset.done @!p0 $0x0  }
0xbd: {  	s1 =	simm.s32 @!p0 $0x7;
	[sflag:s12] =	ssyncadd.s32 @!p0 $0xFFFFD300  }
0xbe: {  	s25 =	simm.s32 $0x1;
	_ =	swait.ge @!p0 [sflag:s1], $0x230  }
0xbf: {  	s11 =	simm.s32 @!p0 $0x50;
	s6 =	sand.u32 @!p0 $0x1, s25;
	[sflag:s1] =	ssyncset.done @!p0 $0x0  }
0xc0: {  	p1 =	seq.s32 @!p0 s6, $0x1;
	s5 =	smul.u32 @!p0 $0xB400, s0;
	[sflag:s1] =	ssyncadd.s32 @!p0 $0xFFFFFDD0  }
0xc1: {  	s6 =	simm.s32 @!p0 $0x230;
	p1 =	por !p1, p0;
	_ =	swait.ge @!p0 [sflag:s1], $0x230  }
0xc2: {  	s6 =	simm.s32 @p1 $0x0;
	s5 =	sshrl.u32 @!p0 s5, $0x2;
	[sflag:s1] =	ssyncset.done @!p0 $0x0  }
0xc3: {  	s0 =	sadd.s32 @!p0 $0x1, s0;
	s5 =	sadd.s32 @!p0 $0x9B0, s5;
	[sflag:s1] =	ssyncadd.s32 @!p0 $0xFFFFFDD0  }
0xc4: {  	[tilespmem:s5], [sflag:s0] =	stream.indirect.gather @!p0 [hbm4b:s4+s11], $0x90, s6, s11, $0xb8;
	[tilespmem:$0x1F0D0] =	vst v63  }
0xc5: {  	v0 =	vld [tilespmem:s31+$0x460];
	_ =	sdelay $0x1  }
0xc6: {  	s16 =	smul.u32 $0x140, s3;
	_ =	sdelay $0x1  }
0xc7: {  	s1 =	sshrl.u32 s16, $0x2  }
0xc8: {  	[tilespmem:s1+$0x8C0] =	vst v0  }
0xc9: {  	v0 =	vld [tilespmem:s30+$0x650];
	_ =	sdelay $0x4  }
0xca: {  	p1 =	por $0x0, $0x0;
	[tilespmem:s1+$0x8D0] =	vst v0  }
0xcb: {  	p3 =	por $0x0, $0x0;
	s22 =	simm.s32 @!p1 $0x0;
	s26 =	rddreg [dreg:$0x16];
	v0 =	vld [tilespmem:s30+$0x660]  }
0xcc: {  	s18 =	sand.u32 $0x1, s25;
	s28 =	sadd.s32 $0x46, s26;
	s13 =	smov.u32 s26  }
0xcd: {  	s5 =	smul.u32 $0x7, s25;
	s0 =	simm.s32 $0x2;
	s4 =	rddreg [dreg:$0x17]  }
0xce: {  	p0 =	seq.s32 s18, $0x1;
	[dreg:$0x6] =	wrdreg s28;
	s17 =	sadd.s32 $0x46, s4  }
0xcf: {  	s31 =	simm.s32 $0x2;
	s19 =	sand.u32 $0xFF, s5;
	s20 =	sadd.s32 $0x1, s5  }
0xd0: {  	s11 =	sadd.s32 $0x4, s5;
	s6 =	smul.u32 $0xAB, s19;
	s23 =	sand.u32 $0xFF, s20;
	[tilespmem:s1+$0x8E0] =	vst v0  }
0xd1: {  	s3 =	sadd.s32 $0x3, s5;
	s15 =	sand.u32 $0xFF, s11;
	s7 =	smul.u32 $0xAB, s23;
	v0 =	vld [tilespmem:s30+$0x670]  }
0xd2: {  	[dreg:$0x5] =	wrdreg s17;
	s16 =	sand.u32 $0xFF, s3;
	s15 =	smul.u32 $0xAB, s15  }
0xd3: {  	s17 =	sadd.s32 $0x8C0, s1;
	s19 =	smul.u32 $0xAB, s16;
	s7 =	sshrl.u32 s7, $0x9  }
0xd4: {  	s12 =	sadd.s32 $0x2, s5;
	s24 =	sshrl.u32 s6, $0x9;
	s18 =	smul.u32 $0x3, s7  }
0xd5: {  	[dreg:$0x7] =	wrdreg s31;
	s6 =	sand.u32 $0xFF, s12;
	s14 =	smul.u32 $0x3, s24  }
0xd6: {  	s7 =	sadd.s32 $0x5, s5;
	s18 =	ssub.s32 s20, s18;
	s20 =	simm.s32 $0x230;
	[tilespmem:s1+$0x8F0] =	vst v0  }
0xd7: {  	s21 =	sand.u32 $0xFF, s7;
	s23 =	ssub.s32 s5, s14;
	s20 =	simm.s32 @!p0 $0x0;
	v0 =	vld [tilespmem:s30+$0x680]  }
.LBB2_2:
0xd8: {  	_ =	sdelay $0x1  }
0xd9: {  	s2 =	smov.u32 s25  }
0xda: {  	s28 =	smov.u32 s0;
	[dreg:$0x8] =	wrdreg s2  }
0xdb: {  	[dreg:$0xd] =	wrdreg s28;
	[tilespmem:s1+$0x900] =	vst v0  }
0xdc: {  	_ =	swait.ge [sflag:s8], $0x2D00  }
0xdd: {  	[sflag:s8] =	ssyncset.done $0x0  }
0xde: {  	s24 =	smul.u32 $0xAB, s6;
	s6 =	sand.u32 $0xFF, s18;
	[sflag:s8] =	ssyncadd.s32 $0xFFFFD300  }
0xdf: {  	s31 =	sshrl.u32 s19, $0x9;
	s14 =	smul.u32 $0xB400, s6;
	s26 =	rddreg [dreg:$0x2]  }
0xe0: {  	[spmem:s26] =	stream.indirect.scatter.add.f32 [tilespmem:s10], [sflag:s9], $0x90, s17, s29, $0xb8;
	[tilespmem:$0x1F0D0] =	vst v63  }
0xe1: {  	s16 =	sadd.s32 $0x50, s20;
	s1 =	smul.u32 $0x3, s31  }
0xe2: {  	[tilespmem:s30], [sflag:$0x7] =	stream.linear.gather @!p1 [hbm4b:s4+s22], $0x230, $0x38;
	[tilespmem:$0x1F0D0] =	vst v63  }
0xe3: {  	s17 =	ssub.s32 s3, s1;
	s3 =	sadd.s32 $0x460, s30;
	s10 =	sadd.s32 @!p3 $0x4, s6  }
0xe4: {  	[tilespmem:s3], [sflag:$0x7] =	stream.linear.gather @!p1 [hbm4b:s13+s22], $0x230, $0x38;
	[tilespmem:$0x1F0D0] =	vst v63  }
0xe5: {  	s18 =	sshrl.u32 s24, $0x9;
	s14 =	sshrl.u32 s14, $0x2;
	_ =	swait.ge @!p3 [sflag:s10], $0x2D00  }
0xe6: {  	s24 =	sshrl.u32 s15, $0x9;
	s19 =	sadd.s32 $0x9B0, s14;
	[sflag:s10] =	ssyncset.done @!p3 $0x0  }
0xe7: {  	s3 =	sadd.s32 $0x1, s6;
	s28 =	rddreg [dreg:$0x4];
	[sflag:s10] =	ssyncadd.s32 @!p3 $0xFFFFD300  }
0xe8: {  	[tilespmem:s19], [sflag:s3] =	stream.indirect.gather [hbm4b:s28+s29], $0x90, s16, s29, $0xb8;
	[tilespmem:$0x1F0D0] =	vst v63  }
0xe9: {  	s25 =	smul.u32 $0x3, s24;
	s17 =	sand.u32 $0xFF, s17;
	v0 =	vld [tilespmem:s20+$0x460]  }
0xea: {  	s1 =	sand.u32 $0xFF, s23;
	s31 =	smul.u32 $0xB400, s17  }
0xeb: {  	s13 =	smul.u32 $0x140, s1;
	_ =	sdelay $0x1  }
0xec: {  	s8 =	ssub.s32 s11, s25;
	s25 =	sshrl.u32 s31, $0x2;
	s31 =	sshrl.u32 s13, $0x2  }
0xed: {  	[tilespmem:s31+$0x8C0] =	vst v0  }
0xee: {  	v0 =	vld [tilespmem:s20+$0x470];
	_ =	sdelay $0x4  }
0xef: {  	[tilespmem:s31+$0x8D0] =	vst v0  }
0xf0: {  	v0 =	vld [tilespmem:s20+$0x480];
	_ =	sdelay $0x1  }
0xf1: {  	s15 =	smul.u32 $0x3, s18  }
0xf2: {  	s21 =	smul.u32 $0xAB, s21;
	s23 =	sand.u32 $0xFF, s8  }
0xf3: {  	s0 =	sadd.s32 $0x1, s0;
	s12 =	ssub.s32 s12, s15;
	s11 =	smul.u32 $0xB400, s23  }
0xf4: {  	s4 =	sshrl.u32 s21, $0x9;
	s30 =	smov.u32 s20;
	p1 =	seq.s32 s2, $0x11;
	[tilespmem:s31+$0x8E0] =	vst v0  }
0xf5: {  	s8 =	smul.u32 $0x3, s4;
	s21 =	sadd.s32 @!p1 $0x7, s5;
	s5 =	sadd.s32 $0x6, s5;
	v0 =	vld [tilespmem:s30+$0x490]  }
0xf6: {  	s15 =	sand.u32 $0xFF, s12;
	s13 =	smul.u32 $0x140, s23;
	s14 =	sand.u32 $0xFF, s5  }
0xf7: {  	s9 =	sshrl.u32 s11, $0x2;
	s11 =	sand.u32 @!p1 $0xFF, s21;
	s10 =	smul.u32 $0xAB, s14  }
0xf8: {  	s7 =	ssub.s32 s7, s8;
	s2 =	rddreg [dreg:$0x7];
	s8 =	smul.u32 @!p1 $0xAB, s11  }
0xf9: {  	s11 =	sand.u32 $0xFF, s7;
	s7 =	smov.u32 s0;
	[dreg:$0xc] =	wrdreg s13  }
0xfa: {  	s14 =	smul.u32 $0xB400, s15;
	s13 =	sand.u32 @!p1 $0x1, s2;
	[dreg:$0x7] =	wrdreg s7;
	[tilespmem:s31+$0x8F0] =	vst v0  }
0xfb: {  	s24 =	smul.u32 $0xB400, s11;
	s7 =	rddreg [dreg:$0x5];
	p2 =	seq.s32 @!p1 s13, $0x1;
	v0 =	vld [tilespmem:s30+$0x4A0]  }
0xfc: {  	s18 =	sshrl.u32 s10, $0x9;
	s10 =	smul.u32 $0x140, s11;
	s13 =	smov.u32 s7  }
0xfd: {  	s4 =	smul.u32 $0x3, s18;
	[dreg:$0x9] =	wrdreg s13  }
0xfe: {  	s12 =	sshrl.u32 s24, $0x2;
	s24 =	rddreg [dreg:$0x6];
	s13 =	smul.u32 $0xB400, s1  }
0xff: {  	[dreg:$0xb] =	wrdreg s10;
	s5 =	ssub.s32 s5, s4;
	s4 =	smov.u32 s24  }
0x100: {  	[dreg:$0xa] =	wrdreg s4;
	s4 =	sshrl.u32 s13, $0x2;
	s13 =	sadd.s32 $0x1, s1;
	[tilespmem:s31+$0x900] =	vst v0  }
0x101: {  	s18 =	sshrl.u32 s14, $0x2;
	_ =	swait.ge [sflag:s13], $0x2D00  }
0x102: {  	s14 =	sadd.s32 $0x8C0, s31;
	s1 =	sadd.s32 $0x4, s1;
	[sflag:s13] =	ssyncset.done $0x0  }
0x103: {  	s4 =	sadd.s32 $0x9B0, s4;
	[sflag:s13] =	ssyncadd.s32 $0xFFFFD300;
	s13 =	sadd.s32 @!p3 $0x4, s15  }
0x104: {  	[spmem:s26] =	stream.indirect.scatter.add.f32 [tilespmem:s4], [sflag:s1], $0x90, s14, s29, $0xb8;
	[tilespmem:$0x1F0D0] =	vst v63  }
0x105: {  	_ =	swait.ge @!p3 [sflag:s13], $0x2D00  }
0x106: {  	s31 =	sadd.s32 $0x1, s15;
	[sflag:s13] =	ssyncset.done @!p3 $0x0  }
0x107: {  	s14 =	sadd.s32 $0xA0, s30;
	s1 =	sadd.s32 $0x9B0, s18;
	[sflag:s13] =	ssyncadd.s32 @!p3 $0xFFFFD300  }
0x108: {  	[tilespmem:s1], [sflag:s31] =	stream.indirect.gather [hbm4b:s28+s29], $0x90, s14, s29, $0xb8;
	[tilespmem:$0x1F0D0] =	vst v63  }
0x109: {  	v0 =	vld [tilespmem:s16+$0x460];
	_ =	sdelay $0x1  }
0x10a: {  	s2 =	smul.u32 $0x140, s6;
	_ =	sdelay $0x1  }
0x10b: {  	s2 =	sshrl.u32 s2, $0x2  }
0x10c: {  	[tilespmem:s2+$0x8C0] =	vst v0  }
0x10d: {  	v0 =	vld [tilespmem:s30+$0x4C0];
	_ =	sdelay $0x4  }
0x10e: {  	[tilespmem:s2+$0x8D0] =	vst v0  }
0x10f: {  	v0 =	vld [tilespmem:s30+$0x4D0];
	_ =	sdelay $0x4  }
0x110: {  	[tilespmem:s2+$0x8E0] =	vst v0  }
0x111: {  	v0 =	vld [tilespmem:s30+$0x4E0];
	_ =	sdelay $0x4  }
0x112: {  	[tilespmem:s2+$0x8F0] =	vst v0  }
0x113: {  	v0 =	vld [tilespmem:s30+$0x4F0];
	_ =	sdelay $0x4  }
0x114: {  	[tilespmem:s2+$0x900] =	vst v0  }
0x115: {  	_ =	swait.ge [sflag:s3], $0x2D00  }
0x116: {  	s13 =	sadd.s32 $0x8C0, s2;
	[sflag:s3] =	ssyncset.done $0x0  }
0x117: {  	s14 =	sadd.s32 $0x4, s6;
	s16 =	sor.u32 $0x4, s17;
	[sflag:s3] =	ssyncadd.s32 $0xFFFFD300  }
0x118: {  	[spmem:s26] =	stream.indirect.scatter.add.f32 [tilespmem:s19], [sflag:s14], $0x90, s13, s29, $0xb8;
	[tilespmem:$0x1F0D0] =	vst v63  }
0x119: {  	_ =	swait.ge [sflag:s16], $0x2D00  }
0x11a: {  	s22 =	smul.u32 $0x140, s17;
	s18 =	sadd.s32 $0xF0, s30;
	[sflag:s16] =	ssyncset.done $0x0  }
0x11b: {  	s17 =	sadd.s32 $0x1, s17;
	s19 =	sadd.s32 $0x9B0, s25;
	[sflag:s16] =	ssyncadd.s32 $0xFFFFD300  }
0x11c: {  	[tilespmem:s19], [sflag:s17] =	stream.indirect.gather [hbm4b:s28+s29], $0x90, s18, s29, $0xb8;
	[tilespmem:$0x1F0D0] =	vst v63  }
0x11d: {  	v0 =	vld [tilespmem:s30+$0x500];
	_ =	sdelay $0x1  }
0x11e: {  	s4 =	smul.u32 $0x140, s15;
	_ =	sdelay $0x1  }
0x11f: {  	s2 =	sshrl.u32 s4, $0x2  }
0x120: {  	[tilespmem:s2+$0x8C0] =	vst v0  }
0x121: {  	v0 =	vld [tilespmem:s30+$0x510];
	_ =	sdelay $0x4  }
0x122: {  	[tilespmem:s2+$0x8D0] =	vst v0  }
0x123: {  	v0 =	vld [tilespmem:s30+$0x520];
	_ =	sdelay $0x4  }
0x124: {  	[tilespmem:s2+$0x8E0] =	vst v0  }
0x125: {  	v0 =	vld [tilespmem:s30+$0x530];
	_ =	sdelay $0x4  }
0x126: {  	[tilespmem:s2+$0x8F0] =	vst v0  }
0x127: {  	v0 =	vld [tilespmem:s30+$0x540];
	_ =	sdelay $0x4  }
0x128: {  	[tilespmem:s2+$0x900] =	vst v0  }
0x129: {  	s25 =	rddreg [dreg:$0xd];
	_ =	swait.ge [sflag:s31], $0x2D00  }
0x12a: {  	s3 =	sor.u32 $0x4, s23;
	[sflag:s31] =	ssyncset.done $0x0  }
0x12b: {  	s13 =	sadd.s32 $0x4, s15;
	s2 =	sadd.s32 $0x8C0, s2;
	[sflag:s31] =	ssyncadd.s32 $0xFFFFD300  }
0x12c: {  	[spmem:s26] =	stream.indirect.scatter.add.f32 [tilespmem:s1], [sflag:s13], $0x90, s2, s29, $0xb8;
	[tilespmem:$0x1F0D0] =	vst v63  }
0x12d: {  	_ =	swait.ge [sflag:s3], $0x2D00  }
0x12e: {  	s14 =	sor.u32 $0x140, s30;
	[sflag:s3] =	ssyncset.done $0x0  }
0x12f: {  	s15 =	sadd.s32 $0x9B0, s9;
	s31 =	sadd.s32 $0x1, s23;
	[sflag:s3] =	ssyncadd.s32 $0xFFFFD300  }
0x130: {  	[tilespmem:s15], [sflag:s31] =	stream.indirect.gather [hbm4b:s28+s29], $0x90, s14, s29, $0xb8;
	[tilespmem:$0x1F0D0] =	vst v63  }
0x131: {  	v0 =	vld [tilespmem:s30+$0x550];
	_ =	sdelay $0x3  }
0x132: {  	s4 =	sshrl.u32 s22, $0x2  }
0x133: {  	[tilespmem:s4+$0x8C0] =	vst v0  }
0x134: {  	v0 =	vld [tilespmem:s30+$0x560];
	_ =	sdelay $0x4  }
0x135: {  	[tilespmem:s4+$0x8D0] =	vst v0  }
0x136: {  	v0 =	vld [tilespmem:s30+$0x570];
	_ =	sdelay $0x4  }
0x137: {  	[tilespmem:s4+$0x8E0] =	vst v0  }
0x138: {  	v0 =	vld [tilespmem:s30+$0x580];
	_ =	sdelay $0x4  }
0x139: {  	[tilespmem:s4+$0x8F0] =	vst v0  }
0x13a: {  	v0 =	vld [tilespmem:s30+$0x590];
	_ =	sdelay $0x3  }
0x13b: {  	s9 =	sor.u32 $0x900, s4  }
0x13c: {  	[tilespmem:s9+$0x0] =	vst v0  }
0x13d: {  	_ =	swait.ge [sflag:s17], $0x2D00  }
0x13e: {  	[sflag:s17] =	ssyncset.done $0x0  }
0x13f: {  	s2 =	sadd.s32 $0x8C0, s4;
	s13 =	sor.u32 $0x4, s11;
	[sflag:s17] =	ssyncadd.s32 $0xFFFFD300  }
0x140: {  	[spmem:s26] =	stream.indirect.scatter.add.f32 [tilespmem:s19], [sflag:s16], $0x90, s2, s29, $0xb8;
	[tilespmem:$0x1F0D0] =	vst v63  }
0x141: {  	_ =	swait.ge [sflag:s13], $0x2D00  }
0x142: {  	s11 =	sadd.s32 $0x1, s11;
	[sflag:s13] =	ssyncset.done $0x0  }
0x143: {  	s14 =	sadd.s32 $0x190, s30;
	s16 =	sadd.s32 $0x9B0, s12;
	[sflag:s13] =	ssyncadd.s32 $0xFFFFD300  }
0x144: {  	[tilespmem:s16], [sflag:s11] =	stream.indirect.gather [hbm4b:s28+s29], $0x90, s14, s29, $0xb8;
	[tilespmem:$0x1F0D0] =	vst v63  }
0x145: {  	v0 =	vld [tilespmem:s30+$0x5A0];
	_ =	sdelay $0x2  }
0x146: {  	s17 =	rddreg [dreg:$0xc]  }
0x147: {  	s2 =	sshrl.u32 s17, $0x2  }
0x148: {  	[tilespmem:s2+$0x8C0] =	vst v0  }
0x149: {  	v0 =	vld [tilespmem:s30+$0x5B0];
	_ =	sdelay $0x4  }
0x14a: {  	[tilespmem:s2+$0x8D0] =	vst v0  }
0x14b: {  	v0 =	vld [tilespmem:s30+$0x5C0];
	_ =	sdelay $0x4  }
0x14c: {  	[tilespmem:s2+$0x8E0] =	vst v0  }
0x14d: {  	v0 =	vld [tilespmem:s30+$0x5D0];
	_ =	sdelay $0x4  }
0x14e: {  	[tilespmem:s2+$0x8F0] =	vst v0  }
0x14f: {  	v0 =	vld [tilespmem:s30+$0x5E0];
	_ =	sdelay $0x3  }
0x150: {  	s8 =	sshrl.u32 @!p1 s8, $0x9;
	s18 =	sor.u32 $0x900, s2  }
0x151: {  	s10 =	smul.u32 @!p1 $0x3, s8;
	[tilespmem:s18+$0x0] =	vst v0  }
0x152: {  	s8 =	sand.u32 $0xFF, s5;
	_ =	swait.ge [sflag:s31], $0x2D00  }
0x153: {  	s10 =	ssub.s32 @!p1 s21, s10;
	s5 =	smul.u32 $0xB400, s8;
	[sflag:s31] =	ssyncset.done $0x0  }
0x154: {  	s9 =	sor.u32 $0x4, s8;
	s2 =	sadd.s32 $0x8C0, s2;
	[sflag:s31] =	ssyncadd.s32 $0xFFFFD300  }
0x155: {  	[spmem:s26] =	stream.indirect.scatter.add.f32 [tilespmem:s15], [sflag:s3], $0x90, s2, s29, $0xb8;
	[tilespmem:$0x1F0D0] =	vst v63  }
0x156: {  	s21 =	sand.u32 @!p1 $0xFF, s10;
	s10 =	sshrl.u32 s5, $0x2;
	_ =	swait.ge [sflag:s9], $0x2D00  }
0x157: {  	s10 =	sadd.s32 $0x9B0, s10;
	s20 =	smul.u32 $0x140, s8;
	[sflag:s9] =	ssyncset.done $0x0  }
0x158: {  	s22 =	sadd.s32 $0x1E0, s30;
	s8 =	sadd.s32 $0x1, s8;
	[sflag:s9] =	ssyncadd.s32 $0xFFFFD300  }
0x159: {  	[tilespmem:s10], [sflag:s8] =	stream.indirect.gather [hbm4b:s28+s29], $0x90, s22, s29, $0xb8;
	[tilespmem:$0x1F0D0] =	vst v63  }
0x15a: {  	v0 =	vld [tilespmem:s30+$0x5F0];
	_ =	sdelay $0x2  }
0x15b: {  	s23 =	rddreg [dreg:$0xb]  }
0x15c: {  	s2 =	sshrl.u32 s23, $0x2  }
0x15d: {  	[tilespmem:s2+$0x8C0] =	vst v0  }
0x15e: {  	v0 =	vld [tilespmem:s30+$0x600];
	_ =	sdelay $0x4  }
0x15f: {  	[tilespmem:s2+$0x8D0] =	vst v0  }
0x160: {  	v0 =	vld [tilespmem:s30+$0x610];
	_ =	sdelay $0x4  }
0x161: {  	[tilespmem:s2+$0x8E0] =	vst v0  }
0x162: {  	v0 =	vld [tilespmem:s30+$0x620];
	_ =	sdelay $0x4  }
0x163: {  	[tilespmem:s2+$0x8F0] =	vst v0  }
0x164: {  	v0 =	vld [tilespmem:s30+$0x630];
	_ =	sdelay $0x3  }
0x165: {  	s31 =	sor.u32 $0x900, s2  }
0x166: {  	[tilespmem:s31+$0x0] =	vst v0  }
0x167: {  	_ =	swait.ge [sflag:s11], $0x2D00  }
0x168: {  	[sflag:s11] =	ssyncset.done $0x0  }
0x169: {  	s4 =	sor.u32 @!p1 $0x4, s21;
	s2 =	sadd.s32 $0x8C0, s2;
	[sflag:s11] =	ssyncadd.s32 $0xFFFFD300  }
0x16a: {  	[spmem:s26] =	stream.indirect.scatter.add.f32 [tilespmem:s16], [sflag:s13], $0x90, s2, s29, $0xb8;
	[tilespmem:$0x1F0D0] =	vst v63  }
0x16b: {  	_ =	swait.ge @!p1 [sflag:s4], $0x2D00  }
0x16c: {  	[sflag:s4] =	ssyncset.done @!p1 $0x0  }
0x16d: {  	s2 =	simm.s32 @!p1 $0x7;
	[sflag:s4] =	ssyncadd.s32 @!p1 $0xFFFFD300  }
0x16e: {  	_ =	swait.ge @!p1 [sflag:s2], $0x230  }
0x16f: {  	s5 =	smul.u32 @!p1 $0xB400, s21;
	[sflag:s2] =	ssyncset.done @!p1 $0x0  }
0x170: {  	p2 =	por !p2, p1;
	[sflag:s2] =	ssyncadd.s32 @!p1 $0xFFFFFDD0  }
0x171: {  	s5 =	sshrl.u32 @!p1 s5, $0x2;
	s6 =	simm.s32 @!p1 $0x50;
	_ =	swait.ge @!p1 [sflag:s2], $0x230  }
0x172: {  	s3 =	sadd.s32 @!p1 $0x9B0, s5;
	s5 =	simm.s32 @!p1 $0x230;
	[sflag:s2] =	ssyncset.done @!p1 $0x0  }
0x173: {  	s5 =	simm.s32 @p2 $0x0;
	s4 =	sadd.s32 @!p1 $0x1, s21;
	[sflag:s2] =	ssyncadd.s32 @!p1 $0xFFFFFDD0  }
0x174: {  	[tilespmem:s3], [sflag:s4] =	stream.indirect.gather @!p1 [hbm4b:s28+s6], $0x90, s5, s6, $0xb8;
	[tilespmem:$0x1F0D0] =	vst v63  }
0x175: {  	v0 =	vld [tilespmem:s22+$0x460];
	_ =	sdelay $0x3  }
0x176: {  	s1 =	sshrl.u32 s20, $0x2  }
0x177: {  	[tilespmem:s1+$0x8C0] =	vst v0  }
0x178: {  	v0 =	vld [tilespmem:s30+$0x650];
	_ =	sdelay $0x4  }
0x179: {  	[tilespmem:s1+$0x8D0] =	vst v0  }
0x17a: {  	p0 =	sne.s32 s0, $0x12;
	s7 =	sadd.s32 $0x46, s7;
	s24 =	sadd.s32 $0x46, s24;
	v0 =	vld [tilespmem:s30+$0x660]  }
0x17b: {  	p3 =	seq.s32 s25, $0x0;
	s20 =	simm.s32 $0x230;
	[dreg:$0x5] =	wrdreg s7  }
0x17c: {  	s7 =	sand.u32 $0x1, s25;
	[dreg:$0x6] =	wrdreg s24;
	s5 =	smul.u32 $0x7, s25  }
0x17d: {  	s17 =	sadd.s32 $0x8C0, s1;
	p2 =	seq.s32 s7, $0x1;
	s31 =	rddreg [dreg:$0x8]  }
0x17e: {  	s20 =	simm.s32 @!p2 $0x0;
	s12 =	sand.u32 $0xFF, s5;
	s13 =	sadd.s32 $0x1, s5  }
0x17f: {  	s11 =	sadd.s32 $0x4, s5;
	s14 =	smul.u32 $0xAB, s12;
	s15 =	sand.u32 $0xFF, s13;
	[tilespmem:s1+$0x8E0] =	vst v0  }
0x180: {  	p1 =	sgt.u32 s31, $0xF;
	s26 =	sand.u32 $0xFF, s11;
	s16 =	smul.u32 $0xAB, s15;
	v0 =	vld [tilespmem:s30+$0x670]  }
0x181: {  	s4 =	rddreg [dreg:$0x9];
	s22 =	simm.s32 @!p1 $0x0;
	s15 =	smul.u32 $0xAB, s26  }
.Ltmp0:
0x182: {  	s3 =	sadd.s32 $0x3, s5;
	s18 =	sshrl.u32 s14, $0x9;
	(pc) =	sbr.rel @p0 .LBB2_2-.Ltmp0, $4  }
0x183: {  	s12 =	sadd.s32 $0x2, s5;
	s7 =	sshrl.u32 s16, $0x9;
	s2 =	smul.u32 $0x3, s18  }
0x184: {  	s19 =	sand.u32 $0xFF, s3;
	s28 =	smul.u32 $0x3, s7;
	s7 =	sadd.s32 $0x5, s5  }
0x185: {  	s6 =	sand.u32 $0xFF, s12;
	s19 =	smul.u32 $0xAB, s19;
	s21 =	sand.u32 $0xFF, s7;
	[tilespmem:s1+$0x8F0] =	vst v0  }
0x186: {  	s23 =	ssub.s32 s5, s2;
	s18 =	ssub.s32 s13, s28;
	s13 =	rddreg [dreg:$0xa];
	v0 =	vld [tilespmem:s30+$0x680]  }
0x187: {  	_ =	sdelay $0x3  }
0x188: {  	[tilespmem:s1+$0x900] =	vst v0  }
0x189: {  	_ =	swait.ge [sflag:s8], $0x2D00  }
0x18a: {  	[sflag:s8] =	ssyncset.done $0x0  }
0x18b: {  	[sflag:s8] =	ssyncadd.s32 $0xFFFFD300  }
0x18c: {  	s24 =	simm.s32 $0x50;
	s14 =	rddreg [dreg:$0x2]  }
0x18d: {  	[spmem:s14] =	stream.indirect.scatter.add.f32 [tilespmem:s10], [sflag:s9], $0x90, s17, s24, $0xb8;
	[tilespmem:$0x1F0D0] =	vst v63  }
0x18e: {  	s0 =	sand.u32 $0xFF, s18  }
0x18f: {  	[tilespmem:s30], [sflag:$0x7] =	stream.linear.gather @!p1 [hbm4b:s4+s22], $0x230, $0x38;
	[tilespmem:$0x1F0D0] =	vst v63  }
0x190: {  	s2 =	sadd.s32 $0x460, s30;
	s17 =	smul.u32 $0xB400, s0;
	s4 =	sadd.s32 @!p3 $0x4, s0  }
0x191: {  	[tilespmem:s2], [sflag:$0x7] =	stream.linear.gather @!p1 [hbm4b:s13+s22], $0x230, $0x38;
	[tilespmem:$0x1F0D0] =	vst v63  }
0x192: {  	s1 =	sshrl.u32 s17, $0x2;
	_ =	swait.ge @!p3 [sflag:s4], $0x2D00  }
0x193: {  	s9 =	sadd.s32 $0x1, s0;
	s8 =	sadd.s32 $0x9B0, s1;
	[sflag:s4] =	ssyncset.done @!p3 $0x0  }
0x194: {  	s2 =	sadd.s32 $0x50, s20;
	s16 =	rddreg [dreg:$0x4];
	[sflag:s4] =	ssyncadd.s32 @!p3 $0xFFFFD300  }
0x195: {  	[tilespmem:s8], [sflag:s9] =	stream.indirect.gather [hbm4b:s16+s24], $0x90, s2, s24, $0xb8;
	[tilespmem:$0x1F0D0] =	vst v63  }
0x196: {  	v57 =	vld [tilespmem:s20+$0x460]  }
0x197: {  	s18 =	sand.u32 $0xFF, s23  }
0x198: {  	s22 =	smul.u32 $0x140, s18;
	_ =	sdelay $0x1  }
0x199: {  	s23 =	sshrl.u32 s22, $0x2  }
0x19a: {  	[tilespmem:s23+$0x8C0] =	vst v57  }
0x19b: {  	v0 =	vld [tilespmem:s20+$0x470];
	_ =	sdelay $0x4  }
0x19c: {  	[tilespmem:s23+$0x8D0] =	vst v0  }
0x19d: {  	v0 =	vld [tilespmem:s20+$0x480];
	_ =	sdelay $0x4  }
0x19e: {  	[tilespmem:s23+$0x8E0] =	vst v0  }
0x19f: {  	v0 =	vld [tilespmem:s20+$0x490];
	_ =	sdelay $0x4  }
0x1a0: {  	[tilespmem:s23+$0x8F0] =	vst v0  }
0x1a1: {  	v0 =	vld [tilespmem:s20+$0x4A0]  }
0x1a2: {  	s26 =	smul.u32 $0xAB, s6;
	_ =	sdelay $0x1  }
0x1a3: {  	s30 =	smul.u32 $0xB400, s18;
	s1 =	sshrl.u32 s26, $0x9  }
0x1a4: {  	s1 =	smul.u32 $0x3, s1  }
0x1a5: {  	s28 =	sadd.s32 $0x1, s18;
	[tilespmem:s23+$0x900] =	vst v0  }
0x1a6: {  	s31 =	sshrl.u32 s30, $0x2;
	s1 =	ssub.s32 s12, s1;
	_ =	swait.ge [sflag:s28], $0x2D00  }
0x1a7: {  	s6 =	sadd.s32 $0x9B0, s31;
	s1 =	sand.u32 $0xFF, s1;
	[sflag:s28] =	ssyncset.done $0x0  }
0x1a8: {  	s4 =	sadd.s32 $0x4, s18;
	s10 =	sadd.s32 $0x8C0, s23;
	[sflag:s28] =	ssyncadd.s32 $0xFFFFD300  }
0x1a9: {  	[spmem:s14] =	stream.indirect.scatter.add.f32 [tilespmem:s6], [sflag:s4], $0x90, s10, s24, $0xb8;
	[tilespmem:$0x1F0D0] =	vst v63  }
0x1aa: {  	s12 =	smul.u32 $0xB400, s1;
	s6 =	sadd.s32 @!p3 $0x4, s1  }
0x1ab: {  	_ =	swait.ge @!p3 [sflag:s6], $0x2D00  }
0x1ac: {  	s13 =	sadd.s32 $0xA0, s20;
	s4 =	sshrl.u32 s12, $0x2;
	[sflag:s6] =	ssyncset.done @!p3 $0x0  }
0x1ad: {  	s17 =	sadd.s32 $0x1, s1;
	s4 =	sadd.s32 $0x9B0, s4;
	[sflag:s6] =	ssyncadd.s32 @!p3 $0xFFFFD300  }
0x1ae: {  	[tilespmem:s4], [sflag:s17] =	stream.indirect.gather [hbm4b:s16+s24], $0x90, s13, s24, $0xb8;
	[tilespmem:$0x1F0D0] =	vst v63  }
0x1af: {  	v58 =	vld [tilespmem:s2+$0x460];
	_ =	sdelay $0x1  }
0x1b0: {  	s18 =	smul.u32 $0x140, s0;
	_ =	sdelay $0x1  }
0x1b1: {  	s2 =	sshrl.u32 s18, $0x2  }
0x1b2: {  	[tilespmem:s2+$0x8C0] =	vst v58  }
0x1b3: {  	v0 =	vld [tilespmem:s20+$0x4C0];
	_ =	sdelay $0x4  }
0x1b4: {  	[tilespmem:s2+$0x8D0] =	vst v0  }
0x1b5: {  	v0 =	vld [tilespmem:s20+$0x4D0];
	_ =	sdelay $0x4  }
0x1b6: {  	[tilespmem:s2+$0x8E0] =	vst v0  }
0x1b7: {  	v0 =	vld [tilespmem:s20+$0x4E0];
	_ =	sdelay $0x4  }
0x1b8: {  	[tilespmem:s2+$0x8F0] =	vst v0  }
0x1b9: {  	v0 =	vld [tilespmem:s20+$0x4F0];
	_ =	sdelay $0x1  }
0x1ba: {  	s19 =	sshrl.u32 s19, $0x9  }
0x1bb: {  	s10 =	smul.u32 $0x3, s19;
	_ =	sdelay $0x1  }
0x1bc: {  	s3 =	ssub.s32 s3, s10;
	[tilespmem:s2+$0x900] =	vst v0  }
0x1bd: {  	s10 =	sand.u32 $0xFF, s3;
	_ =	swait.ge [sflag:s9], $0x2D00  }
0x1be: {  	s0 =	sadd.s32 $0x4, s0;
	s22 =	smul.u32 $0xB400, s10;
	[sflag:s9] =	ssyncset.done $0x0  }
0x1bf: {  	s23 =	sor.u32 $0x4, s10;
	s2 =	sadd.s32 $0x8C0, s2;
	[sflag:s9] =	ssyncadd.s32 $0xFFFFD300  }
0x1c0: {  	[spmem:s14] =	stream.indirect.scatter.add.f32 [tilespmem:s8], [sflag:s0], $0x90, s2, s24, $0xb8;
	[tilespmem:$0x1F0D0] =	vst v63  }
0x1c1: {  	_ =	swait.ge [sflag:s23], $0x2D00  }
0x1c2: {  	s26 =	sadd.s32 $0xF0, s20;
	s2 =	sshrl.u32 s22, $0x2;
	[sflag:s23] =	ssyncset.done $0x0  }
0x1c3: {  	s28 =	sadd.s32 $0x1, s10;
	s2 =	sadd.s32 $0x9B0, s2;
	[sflag:s23] =	ssyncadd.s32 $0xFFFFD300  }
0x1c4: {  	[tilespmem:s2], [sflag:s28] =	stream.indirect.gather [hbm4b:s16+s24], $0x90, s26, s24, $0xb8;
	[tilespmem:$0x1F0D0] =	vst v63  }
0x1c5: {  	v59 =	vld [tilespmem:s20+$0x500];
	_ =	sdelay $0x1  }
0x1c6: {  	s30 =	smul.u32 $0x140, s1;
	_ =	sdelay $0x1  }
0x1c7: {  	s3 =	sshrl.u32 s30, $0x2  }
0x1c8: {  	[tilespmem:s3+$0x8C0] =	vst v59  }
0x1c9: {  	v0 =	vld [tilespmem:s20+$0x510];
	_ =	sdelay $0x4  }
0x1ca: {  	[tilespmem:s3+$0x8D0] =	vst v0  }
0x1cb: {  	v0 =	vld [tilespmem:s20+$0x520];
	_ =	sdelay $0x4  }
0x1cc: {  	[tilespmem:s3+$0x8E0] =	vst v0  }
0x1cd: {  	v0 =	vld [tilespmem:s20+$0x530];
	_ =	sdelay $0x4  }
0x1ce: {  	[tilespmem:s3+$0x8F0] =	vst v0  }
0x1cf: {  	v0 =	vld [tilespmem:s20+$0x540];
	_ =	sdelay $0x3  }
0x1d0: {  	s31 =	sshrl.u32 s15, $0x9  }
0x1d1: {  	s8 =	smul.u32 $0x3, s31;
	[tilespmem:s3+$0x900] =	vst v0  }
0x1d2: {  	_ =	swait.ge [sflag:s17], $0x2D00  }
0x1d3: {  	s1 =	sadd.s32 $0x4, s1;
	s8 =	ssub.s32 s11, s8;
	[sflag:s17] =	ssyncset.done $0x0  }
0x1d4: {  	s11 =	sand.u32 $0xFF, s8;
	s3 =	sadd.s32 $0x8C0, s3;
	[sflag:s17] =	ssyncadd.s32 $0xFFFFD300  }
0x1d5: {  	[spmem:s14] =	stream.indirect.scatter.add.f32 [tilespmem:s4], [sflag:s1], $0x90, s3, s24, $0xb8;
	[tilespmem:$0x1F0D0] =	vst v63  }
0x1d6: {  	s12 =	smul.u32 $0xB400, s11;
	s3 =	sor.u32 $0x4, s11  }
0x1d7: {  	_ =	swait.ge [sflag:s3], $0x2D00  }
0x1d8: {  	s13 =	sor.u32 $0x140, s20;
	s1 =	sshrl.u32 s12, $0x2;
	[sflag:s3] =	ssyncset.done $0x0  }
0x1d9: {  	s12 =	sadd.s32 $0x1, s11;
	s8 =	sadd.s32 $0x9B0, s1;
	[sflag:s3] =	ssyncadd.s32 $0xFFFFD300  }
0x1da: {  	[tilespmem:s8], [sflag:s12] =	stream.indirect.gather [hbm4b:s16+s24], $0x90, s13, s24, $0xb8;
	[tilespmem:$0x1F0D0] =	vst v63  }
0x1db: {  	v60 =	vld [tilespmem:s20+$0x550];
	_ =	sdelay $0x1  }
0x1dc: {  	s15 =	smul.u32 $0x140, s10;
	_ =	sdelay $0x1  }
0x1dd: {  	s1 =	sshrl.u32 s15, $0x2  }
0x1de: {  	[tilespmem:s1+$0x8C0] =	vst v60  }
0x1df: {  	v0 =	vld [tilespmem:s20+$0x560];
	_ =	sdelay $0x4  }
0x1e0: {  	[tilespmem:s1+$0x8D0] =	vst v0  }
0x1e1: {  	v0 =	vld [tilespmem:s20+$0x570];
	_ =	sdelay $0x4  }
0x1e2: {  	[tilespmem:s1+$0x8E0] =	vst v0  }
0x1e3: {  	v0 =	vld [tilespmem:s20+$0x580];
	_ =	sdelay $0x4  }
0x1e4: {  	[tilespmem:s1+$0x8F0] =	vst v0  }
0x1e5: {  	v0 =	vld [tilespmem:s20+$0x590]  }
0x1e6: {  	s17 =	smul.u32 $0xAB, s21;
	_ =	sdelay $0x1  }
0x1e7: {  	s4 =	sshrl.u32 s17, $0x9  }
0x1e8: {  	s4 =	smul.u32 $0x3, s4;
	s18 =	sor.u32 $0x900, s1  }
0x1e9: {  	[tilespmem:s18+$0x0] =	vst v0  }
0x1ea: {  	s4 =	ssub.s32 s7, s4;
	_ =	swait.ge [sflag:s28], $0x2D00  }
0x1eb: {  	s21 =	sadd.s32 $0x8C0, s1;
	s4 =	sand.u32 $0xFF, s4;
	[sflag:s28] =	ssyncset.done $0x0  }
0x1ec: {  	s19 =	smul.u32 $0xB400, s4;
	s1 =	sor.u32 $0x4, s4;
	[sflag:s28] =	ssyncadd.s32 $0xFFFFD300  }
0x1ed: {  	[spmem:s14] =	stream.indirect.scatter.add.f32 [tilespmem:s2], [sflag:s23], $0x90, s21, s24, $0xb8;
	[tilespmem:$0x1F0D0] =	vst v63  }
0x1ee: {  	s22 =	sshrl.u32 s19, $0x2;
	_ =	swait.ge [sflag:s1], $0x2D00  }
0x1ef: {  	s26 =	sadd.s32 $0x9B0, s22;
	[sflag:s1] =	ssyncset.done $0x0  }
0x1f0: {  	s28 =	sadd.s32 $0x1, s4;
	s23 =	sadd.s32 $0x190, s20;
	[sflag:s1] =	ssyncadd.s32 $0xFFFFD300  }
0x1f1: {  	[tilespmem:s26], [sflag:s28] =	stream.indirect.gather [hbm4b:s16+s24], $0x90, s23, s24, $0xb8;
	[tilespmem:$0x1F0D0] =	vst v63  }
0x1f2: {  	v61 =	vld [tilespmem:s20+$0x5A0];
	_ =	sdelay $0x1  }
0x1f3: {  	s30 =	smul.u32 $0x140, s11;
	_ =	sdelay $0x1  }
0x1f4: {  	s0 =	sshrl.u32 s30, $0x2  }
0x1f5: {  	[tilespmem:s0+$0x8C0] =	vst v61  }
0x1f6: {  	v0 =	vld [tilespmem:s20+$0x5B0];
	_ =	sdelay $0x4  }
0x1f7: {  	[tilespmem:s0+$0x8D0] =	vst v0  }
0x1f8: {  	v0 =	vld [tilespmem:s20+$0x5C0];
	_ =	sdelay $0x4  }
0x1f9: {  	[tilespmem:s0+$0x8E0] =	vst v0  }
0x1fa: {  	v0 =	vld [tilespmem:s20+$0x5D0];
	_ =	sdelay $0x4  }
0x1fb: {  	s31 =	sadd.s32 $0x6, s5;
	[tilespmem:s0+$0x8F0] =	vst v0  }
0x1fc: {  	s7 =	sand.u32 $0xFF, s31;
	v0 =	vld [tilespmem:s20+$0x5E0]  }
0x1fd: {  	s6 =	smul.u32 $0xAB, s7;
	_ =	sdelay $0x1  }
0x1fe: {  	s6 =	sshrl.u32 s6, $0x9  }
0x1ff: {  	s11 =	sor.u32 $0x900, s0;
	s6 =	smul.u32 $0x3, s6  }
0x200: {  	[tilespmem:s11+$0x0] =	vst v0  }
0x201: {  	s2 =	ssub.s32 s31, s6;
	_ =	swait.ge [sflag:s12], $0x2D00  }
0x202: {  	s13 =	sadd.s32 $0x8C0, s0;
	s6 =	sand.u32 $0xFF, s2;
	[sflag:s12] =	ssyncset.done $0x0  }
0x203: {  	s2 =	smul.u32 $0xB400, s6;
	s15 =	sor.u32 $0x4, s6;
	[sflag:s12] =	ssyncadd.s32 $0xFFFFD300  }
0x204: {  	[spmem:s14] =	stream.indirect.scatter.add.f32 [tilespmem:s8], [sflag:s3], $0x90, s13, s24, $0xb8;
	[tilespmem:$0x1F0D0] =	vst v63  }
0x205: {  	_ =	swait.ge [sflag:s15], $0x2D00  }
0x206: {  	s17 =	sadd.s32 $0x1E0, s20;
	s2 =	sshrl.u32 s2, $0x2;
	[sflag:s15] =	ssyncset.done $0x0  }
0x207: {  	s19 =	sadd.s32 $0x1, s6;
	s18 =	sadd.s32 $0x9B0, s2;
	[sflag:s15] =	ssyncadd.s32 $0xFFFFD300  }
0x208: {  	[tilespmem:s18], [sflag:s19] =	stream.indirect.gather [hbm4b:s16+s24], $0x90, s17, s24, $0xb8;
	[tilespmem:$0x1F0D0] =	vst v63  }
0x209: {  	v62 =	vld [tilespmem:s20+$0x5F0];
	_ =	sdelay $0x1  }
0x20a: {  	s21 =	smul.u32 $0x140, s4;
	_ =	sdelay $0x1  }
0x20b: {  	s2 =	sshrl.u32 s21, $0x2  }
0x20c: {  	[tilespmem:s2+$0x8C0] =	vst v62  }
0x20d: {  	v0 =	vld [tilespmem:s20+$0x600];
	_ =	sdelay $0x4  }
0x20e: {  	[tilespmem:s2+$0x8D0] =	vst v0  }
0x20f: {  	v0 =	vld [tilespmem:s20+$0x610];
	_ =	sdelay $0x4  }
0x210: {  	[tilespmem:s2+$0x8E0] =	vst v0  }
0x211: {  	v0 =	vld [tilespmem:s20+$0x620];
	_ =	sdelay $0x4  }
0x212: {  	[tilespmem:s2+$0x8F0] =	vst v0  }
0x213: {  	v0 =	vld [tilespmem:s20+$0x630];
	_ =	sdelay $0x1  }
0x214: {  	p0 =	seq.s32 s25, $0x11  }
0x215: {  	s4 =	sadd.s32 @!p0 $0x7, s5  }
0x216: {  	s5 =	sand.u32 @!p0 $0xFF, s4;
	s22 =	sor.u32 $0x900, s2  }
0x217: {  	s5 =	smul.u32 @!p0 $0xAB, s5;
	[tilespmem:s22+$0x0] =	vst v0  }
0x218: {  	_ =	swait.ge [sflag:s28], $0x2D00  }
0x219: {  	s5 =	sshrl.u32 @!p0 s5, $0x9;
	[sflag:s28] =	ssyncset.done $0x0  }
0x21a: {  	s5 =	smul.u32 @!p0 $0x3, s5;
	s2 =	sadd.s32 $0x8C0, s2;
	[sflag:s28] =	ssyncadd.s32 $0xFFFFD300  }
0x21b: {  	[spmem:s14] =	stream.indirect.scatter.add.f32 [tilespmem:s26], [sflag:s1], $0x90, s2, s24, $0xb8;
	[tilespmem:$0x1F0D0] =	vst v63  }
0x21c: {  	s1 =	ssub.s32 @!p0 s4, s5  }
0x21d: {  	s1 =	sand.u32 @!p0 $0xFF, s1  }
0x21e: {  	s2 =	sor.u32 @!p0 $0x4, s1  }
0x21f: {  	_ =	swait.ge @!p0 [sflag:s2], $0x2D00  }
0x220: {  	[sflag:s2] =	ssyncset.done @!p0 $0x0  }
0x221: {  	s4 =	simm.s32 @!p0 $0x7;
	[sflag:s2] =	ssyncadd.s32 @!p0 $0xFFFFD300  }
0x222: {  	s2 =	smul.u32 @!p0 $0xB400, s1;
	_ =	swait.ge @!p0 [sflag:s4], $0x230  }
0x223: {  	s1 =	sadd.s32 @!p0 $0x1, s1;
	s5 =	rddreg [dreg:$0x7];
	[sflag:s4] =	ssyncset.done @!p0 $0x0  }
0x224: {  	s2 =	sshrl.u32 @!p0 s2, $0x2;
	s5 =	sand.u32 @!p0 $0x1, s5;
	[sflag:s4] =	ssyncadd.s32 @!p0 $0xFFFFFDD0  }
0x225: {  	s2 =	sadd.s32 @!p0 $0x9B0, s2;
	p1 =	seq.s32 @!p0 s5, $0x1;
	_ =	swait.ge @!p0 [sflag:s4], $0x230  }
0x226: {  	s5 =	simm.s32 @!p0 $0x230;
	p1 =	por !p1, p0;
	[sflag:s4] =	ssyncset.done @!p0 $0x0  }
0x227: {  	s5 =	simm.s32 @p1 $0x0;
	[sflag:s4] =	ssyncadd.s32 @!p0 $0xFFFFFDD0;
	s4 =	simm.s32 @!p0 $0x50  }
0x228: {  	[tilespmem:s2], [sflag:s1] =	stream.indirect.gather @!p0 [hbm4b:s16+s4], $0x90, s5, s4, $0xb8;
	[tilespmem:$0x1F0D0] =	vst v63  }
0x229: {  	v63 =	vld [tilespmem:s17+$0x460];
	_ =	sdelay $0x1  }
0x22a: {  	s23 =	smul.u32 $0x140, s6;
	_ =	sdelay $0x1  }
0x22b: {  	s1 =	sshrl.u32 s23, $0x2  }
0x22c: {  	[tilespmem:s1+$0x8C0] =	vst v63  }
0x22d: {  	v0 =	vld [tilespmem:s20+$0x650];
	_ =	sdelay $0x4  }
0x22e: {  	[tilespmem:s1+$0x8D0] =	vst v0  }
0x22f: {  	v0 =	vld [tilespmem:s20+$0x660];
	_ =	sdelay $0x4  }
0x230: {  	[tilespmem:s1+$0x8E0] =	vst v0  }
0x231: {  	v0 =	vld [tilespmem:s20+$0x670];
	_ =	sdelay $0x4  }
0x232: {  	[tilespmem:s1+$0x8F0] =	vst v0  }
0x233: {  	v0 =	vld [tilespmem:s20+$0x680];
	_ =	sdelay $0x4  }
0x234: {  	[tilespmem:s1+$0x900] =	vst v0  }
0x235: {  	_ =	swait.ge [sflag:s19], $0x2D00  }
0x236: {  	[sflag:s19] =	ssyncset.done $0x0  }
0x237: {  	p0 =	sgt.u32 s25, $0xF;
	s1 =	sadd.s32 $0x8C0, s1;
	[sflag:s19] =	ssyncadd.s32 $0xFFFFD300  }
0x238: {  	[spmem:s14] =	stream.indirect.scatter.add.f32 [tilespmem:s18], [sflag:s15], $0x90, s1, s24, $0xb8;
	[tilespmem:$0x1F0D0] =	vst v63  }
0x239: {  	s0 =	simm.s32 @!p0 $0x0;
	s1 =	rddreg [dreg:$0x5]  }
0x23a: {  	[tilespmem:s20], [sflag:$0x7] =	stream.linear.gather @!p0 [hbm4b:s1+s0], $0x230, $0x38;
	[tilespmem:$0x1F0D0] =	vst v63  }
0x23b: {  	s2 =	rddreg [dreg:$0x6];
	s24 =	simm.s32 $0x4;
	s1 =	sadd.s32 $0x460, s20  }
0x23c: {  	[tilespmem:s1], [sflag:$0x7] =	stream.linear.gather @!p0 [hbm4b:s2+s0], $0x230, $0x38;
	[tilespmem:$0x1F0D0] =	vst v63  }
0x23d: {  	_ =	swait.ge [sflag:s24], $0x2D00  }
0x23e: {  	[sflag:s24] =	ssyncset.done $0x0  }
0x23f: {  	s25 =	simm.s32 $0x5;
	[sflag:s24] =	ssyncadd.s32 $0xFFFFD300  }
0x240: {  	_ =	swait.ge [sflag:s25], $0x2D00  }
0x241: {  	[sflag:s25] =	ssyncset.done $0x0  }
0x242: {  	s26 =	simm.s32 $0x6;
	[sflag:s25] =	ssyncadd.s32 $0xFFFFD300  }
0x243: {  	_ =	swait.ge [sflag:s26], $0x2D00  }
0x244: {  	[sflag:s26] =	ssyncset.done $0x0  }
0x245: {  	[sflag:s26] =	ssyncadd.s32 $0xFFFFD300  }
0x246: {  	[bflag:$0x0] =	sbarrier.arrive $0xFFFF  }
0x247: {  	s4 =	rddreg [dreg:$0xf]  }
0x248: {  	s28 =	rddreg [dreg:$0x14]  }
0x249: {  	s3 =	simm.s32 $0x8;
	s1 =	rddreg [dreg:$0x18]  }
0x24a: {  	[hbm:s28], [sflag:s4] =	dma.local [spmem:s1], $0x2C04  }
0x24b: {  	_ =	swait.ge [sflag:s3], $0x2C04  }
0x24c: {  	s30 =	rddreg [dreg:$0x19]  }
0x24d: {  	s31 =	rddreg [dreg:$0x15];
	s2 =	sadd.s32 $0x1, s30  }
0x24e: {  	p0 =	sne.s32 s2, s31  }
.Ltmp1:
0x24f: {  	_ = 	snop;
	(pc) =	sbr.rel @p0 .LBB2_1-.Ltmp1, $3  }
0x250: {  	_ =	sdelay $0x1  }
0x251: {  	[sflag:s3] =	ssyncset.done $0x0  }
0x252: {  	[sflag:s3] =	ssyncadd.s32 $0xFFFFD3FC  }
0x253: {  	_ =	sfence.sel $0x180000  }
0x254: {  	[bflag:$0x0] =	sbarrier.arrive $0xFFFF  }
0x255: {  	_ =	strace $0x90000047  }
0x256: {  	s0 =	stileid.u32;
	[bflag:$0x2] =	sbarrier.arrive $0xFFFF  }
0x257: {  	p0 =	sne.s32 s0, $0x0;
	s0 =	rddreg [dreg:$0x3]  }
0x258: {  	s0 =	sadd.s32 @!p0 $0x100000, s0  }
0x259: {  	[sflag:s0] =	ssyncadd.tile.s32 @!p0 $0x1;
	_ =	shalt  }
.Lfunc_end2:
_tile_overlayer_lowered:
.L_overlay_start_2:
0x25a: {  	(tag) =	ssettag $0x2  }
0x25b: {  	s0 =	rddreg [dreg:$0x0];
	s2 =	stileid.u32  }
0x25c: {  	s1 =	rddreg [dreg:$0x1];
	p0 =	sne.s32 s2, $0x0  }
0x25d: {  	s3 =	rddreg [dreg:$0x2];
	[bflag:$0x3] =	sbarrier.arrive $0xFFFF;
	s2 =	simm.s32 @!p0 $0x1C08  }
0x25e: {  	[timem:s3], [sflag:s2] =	dma.local @!p0 [hbm:s0], s1  }
0x25f: {  	s0 =	simm.s32 @!p0 $0x8  }
0x260: {  	_ =	swait.ge @!p0 [sflag:s0], s1  }
0x261: {  	s1 =	ssub.s32 @!p0 $0x0, s1;
	[sflag:s0] =	ssyncset.done @!p0 $0x0  }
0x262: {  	[sflag:s0] =	ssyncadd.s32 @!p0 s1  }
0x263: {  	[bflag:$0x3] =	sbarrier.arrive $0xFFFF  }
0x264: {  	_ =	shalt  }

</sc_bundles>
